<compile_context>
chip_gen: v7x
topology: tpu7x:2x2x1
jax: 0.10.2.dev20260603
libtpu: 0.0.44.dev20260713+nightly
codegen_flags: <defaults>
</compile_context>

<pallas_src>
import functools

import jax
import jax.numpy as jnp
from jax import lax
from jax.experimental import pallas as pl
from jax.experimental.pallas import tpu as pltpu
from jax.experimental.pallas import tpu_sc as plsc

BATCH = 4096
SEQ = 200
EMBED = 128
NUM_CLASSES = 1000
VOCAB = 100000

NUM_WORKERS = 32
SAMPLES_PER_WORKER = BATCH // NUM_WORKERS
CHUNK = 40
CHUNKS_PER_SAMPLE = SEQ // CHUNK
IDX_ROWS_PER_WORKER = SAMPLES_PER_WORKER * CHUNKS_PER_SAMPLE
LANES = 16
VECS = EMBED // LANES
GROUP = 32


def _sc_pool(x2, table):
    mesh = plsc.VectorSubcoreMesh(core_axis_name="c", subcore_axis_name="s")

    @functools.partial(
        pl.kernel,
        out_type=jax.ShapeDtypeStruct((BATCH, EMBED), jnp.float32),
        mesh=mesh,
        scratch_types=[
            pltpu.VMEM((IDX_ROWS_PER_WORKER, CHUNK), jnp.int32),
            pltpu.VMEM((CHUNKS_PER_SAMPLE, CHUNK, EMBED), jnp.float32),
            pltpu.VMEM((GROUP, EMBED), jnp.float32),
        ]
        + [pltpu.SemaphoreType.DMA] * CHUNKS_PER_SAMPLE,
        compiler_params=pltpu.CompilerParams(use_tc_tiling_on_sc=False),
    )
    def k(x_hbm, table_hbm, out_hbm, idx_v, rows_v, acc_v, *sems):
        wid = lax.axis_index("s") * 2 + lax.axis_index("c")
        idx_base = wid * IDX_ROWS_PER_WORKER

        pltpu.sync_copy(x_hbm.at[pl.ds(idx_base, IDX_ROWS_PER_WORKER)], idx_v)

        def issue(sample, c):
            pltpu.async_copy(
                table_hbm.at[idx_v.at[sample * CHUNKS_PER_SAMPLE + c]],
                rows_v.at[c],
                sems[c],
            )

        def drain(c):
            pltpu.make_async_copy(
                table_hbm.at[pl.ds(0, CHUNK)], rows_v.at[c], sems[c]
            ).wait()

        def accum_chunk(c, acc):
            @plsc.parallel_loop(0, CHUNK, unroll=8, carry=acc)
            def body(r, a):
                out = []
                for g in range(VECS):
                    w = rows_v[c, r, pl.ds(LANES * g, LANES)]
                    out.append(a[g] + w)
                return tuple(out)
            return body

        for c in range(CHUNKS_PER_SAMPLE):
            issue(0, c)

        steps_per_group = GROUP

        def step(s, carry):
            acc = tuple(jnp.zeros((LANES,), jnp.float32) for _ in range(VECS))
            for c in range(CHUNKS_PER_SAMPLE):
                drain(c)
                acc = accum_chunk(c, acc)

                @pl.when(s + 1 < SAMPLES_PER_WORKER)
                def _prefetch():
                    issue(s + 1, c)

            s_mod = lax.rem(s, steps_per_group)
            for j in range(VECS):
                acc_v[s_mod, pl.ds(LANES * j, LANES)] = acc[j] * (1.0 / SEQ)

            @pl.when(s_mod == steps_per_group - 1)
            def _flush():
                g = s // steps_per_group
                pltpu.sync_copy(
                    acc_v,
                    out_hbm.at[pl.ds(wid * SAMPLES_PER_WORKER + g * GROUP, GROUP)],
                )
            return carry

        lax.fori_loop(0, SAMPLES_PER_WORKER, step, 0)

    return k(x2, table)


def _tc_matmul(pooled, W, b2):
    BB = 512

    def body(p_ref, w_ref, b_ref, o_ref):
        o_ref[...] = (
            jnp.dot(p_ref[...], w_ref[...], preferred_element_type=jnp.float32)
            + b_ref[...]
        )

    return pl.pallas_call(
        body,
        grid=(BATCH // BB,),
        in_specs=[
            pl.BlockSpec((BB, EMBED), lambda i: (i, 0)),
            pl.BlockSpec((EMBED, NUM_CLASSES), lambda i: (0, 0)),
            pl.BlockSpec((1, NUM_CLASSES), lambda i: (0, 0)),
        ],
        out_specs=pl.BlockSpec((BB, NUM_CLASSES), lambda i: (i, 0)),
        out_shape=jax.ShapeDtypeStruct((BATCH, NUM_CLASSES), jnp.float32),
    )(pooled, W, b2)


def kernel(x, table, W, b):
    x2 = x.astype(jnp.int32).reshape(BATCH * CHUNKS_PER_SAMPLE, CHUNK)
    pooled = _sc_pool(x2, table)
    return _tc_matmul(pooled, W, b.reshape(1, NUM_CLASSES))

# --- scband reference (transcript-rebuilt; emitter-appended) ---
"""Pipeline reference for scband-simple-text-classifier-9749575762671 (READ-ONLY COPY).

The authoritative reference and input builder live on the scoring server;
editing this copy changes nothing except your own understanding.
"""

import jax, jax.numpy as jnp
import numpy as np

VOCAB = 100000
EMBED = 128
NUM_CLASSES = 1000
BATCH = 4096
SEQ = 200

def setup_inputs(seed: int = 0) -> dict:
    key = jax.random.key(seed)
    k1, k2, k3, k4 = jax.random.split(key, 4)
    x = jax.random.randint(k1, (BATCH, SEQ), 0, VOCAB, dtype=jnp.int64 if jax.config.jax_enable_x64 else jnp.int32)
    table = jax.random.normal(k2, (VOCAB, EMBED), dtype=jnp.float32) * 0.02
    W = jax.random.normal(k3, (EMBED, NUM_CLASSES), dtype=jnp.float32) * (1.0 / np.sqrt(EMBED))
    b = jnp.zeros((NUM_CLASSES,), dtype=jnp.float32)
    return {"x": x, "table": table, "W": W, "b": b}

def reference(x, table, W, b):
    # embedding lookup (gather)
    embedded = jnp.take(table, x, axis=0)            # [B, S, D]
    # dropout is identity in eval/inference mode
    pooled = embedded.mean(axis=1)                   # [B, D]
    logits = pooled @ W + b                          # [B, C]
    return logits

if __name__ == "__main__":
    import jax
    _d = setup_inputs()
    print(jax.jit(kernel)(*tuple(_d.values())))

</pallas_src>

<mosaic_0001>
#map = affine_map<(d0, d1) -> (0, 0)>
module attributes {stable_mosaic.version = 14 : i64} {
  func.func @k(%arg0: i32, %arg1: i32, %arg2: memref<20480x40xi32, #tpu.memory_space<hbm>>, %arg3: memref<100000x128xf32, #tpu.memory_space<hbm>>, %arg4: memref<4096x128xf32, #tpu.memory_space<hbm>>, %arg5: memref<640x40xi32, #tpu.memory_space<vmem>>, %arg6: memref<5x40x128xf32, #tpu.memory_space<vmem>>, %arg7: memref<32x128xf32, #tpu.memory_space<vmem>>, %arg8: memref<!tpu.dma_semaphore, #tpu.memory_space<semaphore_mem>>, %arg9: memref<!tpu.dma_semaphore, #tpu.memory_space<semaphore_mem>>, %arg10: memref<!tpu.dma_semaphore, #tpu.memory_space<semaphore_mem>>, %arg11: memref<!tpu.dma_semaphore, #tpu.memory_space<semaphore_mem>>, %arg12: memref<!tpu.dma_semaphore, #tpu.memory_space<semaphore_mem>>) attributes {dimension_semantics = [#tpu.dimension_semantics<core_parallel>, #tpu.dimension_semantics<subcore_parallel>], iteration_bounds = array<i64: 2, 16>, scalar_prefetch = 0 : i64, scratch_operands = 8 : i64, tpu.core_type = #tpu.core_type<sc_vector_subcore>, window_params = [{transform_indices = #map}, {transform_indices = #map}, {transform_indices = #map}]} {
    %mul3A = arith.constant 2 : i32
    %mul3A_0 = arith.muli %arg1, %mul3A : i32
    %add3A = arith.addi %mul3A_0, %arg0 : i32
    %mul3A_1 = arith.constant 640 : i32
    %mul3A_2 = arith.muli %add3A, %mul3A_1 : i32
    "tpu.region"() ({
      %run_scoped3A = tpu.sem_alloc : memref<!tpu.dma_semaphore, #tpu.memory_space<semaphore_mem>>
      %dma_start3A_67 = arith.constant 0 : i32
      %dma_start3A_68 = tpu.memref_slice %arg2[%mul3A_2, %dma_start3A_67] : memref<20480x40xi32, #tpu.memory_space<hbm>> -> memref<640x40xi32, #tpu.memory_space<hbm>>
      %dma_start3A_69 = arith.constant 0 : i32
      %dma_start3A_70 = tpu.memref_slice %arg2[%mul3A_2, %dma_start3A_69] : memref<20480x40xi32, #tpu.memory_space<hbm>> -> memref<640x40xi32, #tpu.memory_space<hbm>>
      tpu.enqueue_dma source(%dma_start3A_70 : memref<640x40xi32, #tpu.memory_space<hbm>>) target(%arg5 : memref<640x40xi32, #tpu.memory_space<vmem>>) target_semaphore(%run_scoped3A : memref<!tpu.dma_semaphore, #tpu.memory_space<semaphore_mem>>)
      %dma_wait3A = arith.constant 0 : i32
      %dma_wait3A_71 = tpu.memref_slice %arg2[%mul3A_2, %dma_wait3A] : memref<20480x40xi32, #tpu.memory_space<hbm>> -> memref<640x40xi32, #tpu.memory_space<hbm>>
      %dma_wait3A_72 = arith.constant 0 : i32
      %dma_wait3A_73 = tpu.memref_slice %arg2[%mul3A_2, %dma_wait3A_72] : memref<20480x40xi32, #tpu.memory_space<hbm>> -> memref<640x40xi32, #tpu.memory_space<hbm>>
      tpu.wait_dma2 semaphore(%run_scoped3A : memref<!tpu.dma_semaphore, #tpu.memory_space<semaphore_mem>>) src(%dma_wait3A_73 : memref<640x40xi32, #tpu.memory_space<hbm>>) dst(%arg5 : memref<640x40xi32, #tpu.memory_space<vmem>>)
      tpu.yield
    }) : () -> ()
    %dma_start3A = arith.constant 0 : i32
    %dma_start3A_3 = arith.constant 0 : i32
    %dma_start3A_4 = arith.constant 0 : i32
    %dma_start3A_5 = arith.constant 0 : i32
    %dma_start3A_6 = tpu.memref_slice %arg6[%dma_start3A_3, %dma_start3A_4, %dma_start3A_5] : memref<5x40x128xf32, #tpu.memory_space<vmem>> -> memref<1x40x128xf32, #tpu.memory_space<vmem>>
    %dma_start3A_7 = tpu.memref_squeeze %dma_start3A_6 : memref<1x40x128xf32, #tpu.memory_space<vmem>> -> memref<40x128xf32, #tpu.memory_space<vmem>>
    %dma_start3A_8 = arith.constant 0 : i32
    %dma_start3A_9 = tpu.memref_slice %arg5[%dma_start3A, %dma_start3A_8] : memref<640x40xi32, #tpu.memory_space<vmem>> -> memref<1x40xi32, #tpu.memory_space<vmem>>
    %dma_start3A_10 = tpu.memref_squeeze %dma_start3A_9 : memref<1x40xi32, #tpu.memory_space<vmem>> -> memref<40xi32, #tpu.memory_space<vmem>>
    %dma_start3A_11 = arith.constant 0 : i32
    %dma_start3A_12 = arith.constant 0 : i32
    %dma_start3A_13 = tpu.memref_slice %arg3[%dma_start3A_11, %dma_start3A_12] : memref<100000x128xf32, #tpu.memory_space<hbm>> -> memref<100000x128xf32, #tpu.memory_space<hbm>>
    tpu.enqueue_indirect_dma source(%dma_start3A_13 : memref<100000x128xf32, #tpu.memory_space<hbm>>) target(%dma_start3A_7 : memref<40x128xf32, #tpu.memory_space<vmem>>) offsets(%dma_start3A_10 : memref<40xi32, #tpu.memory_space<vmem>>) semaphore(%arg8 : memref<!tpu.dma_semaphore, #tpu.memory_space<semaphore_mem>>)
    %dma_start3A_14 = arith.constant 1 : i32
    %dma_start3A_15 = arith.constant 1 : i32
    %dma_start3A_16 = arith.constant 0 : i32
    %dma_start3A_17 = arith.constant 0 : i32
    %dma_start3A_18 = tpu.memref_slice %arg6[%dma_start3A_15, %dma_start3A_16, %dma_start3A_17] : memref<5x40x128xf32, #tpu.memory_space<vmem>> -> memref<1x40x128xf32, #tpu.memory_space<vmem>>
    %dma_start3A_19 = tpu.memref_squeeze %dma_start3A_18 : memref<1x40x128xf32, #tpu.memory_space<vmem>> -> memref<40x128xf32, #tpu.memory_space<vmem>>
    %dma_start3A_20 = arith.constant 0 : i32
    %dma_start3A_21 = tpu.memref_slice %arg5[%dma_start3A_14, %dma_start3A_20] : memref<640x40xi32, #tpu.memory_space<vmem>> -> memref<1x40xi32, #tpu.memory_space<vmem>>
    %dma_start3A_22 = tpu.memref_squeeze %dma_start3A_21 : memref<1x40xi32, #tpu.memory_space<vmem>> -> memref<40xi32, #tpu.memory_space<vmem>>
    %dma_start3A_23 = arith.constant 0 : i32
    %dma_start3A_24 = arith.constant 0 : i32
    %dma_start3A_25 = tpu.memref_slice %arg3[%dma_start3A_23, %dma_start3A_24] : memref<100000x128xf32, #tpu.memory_space<hbm>> -> memref<100000x128xf32, #tpu.memory_space<hbm>>
    tpu.enqueue_indirect_dma source(%dma_start3A_25 : memref<100000x128xf32, #tpu.memory_space<hbm>>) target(%dma_start3A_19 : memref<40x128xf32, #tpu.memory_space<vmem>>) offsets(%dma_start3A_22 : memref<40xi32, #tpu.memory_space<vmem>>) semaphore(%arg9 : memref<!tpu.dma_semaphore, #tpu.memory_space<semaphore_mem>>)
    %dma_start3A_26 = arith.constant 2 : i32
    %dma_start3A_27 = arith.constant 2 : i32
    %dma_start3A_28 = arith.constant 0 : i32
    %dma_start3A_29 = arith.constant 0 : i32
    %dma_start3A_30 = tpu.memref_slice %arg6[%dma_start3A_27, %dma_start3A_28, %dma_start3A_29] : memref<5x40x128xf32, #tpu.memory_space<vmem>> -> memref<1x40x128xf32, #tpu.memory_space<vmem>>
    %dma_start3A_31 = tpu.memref_squeeze %dma_start3A_30 : memref<1x40x128xf32, #tpu.memory_space<vmem>> -> memref<40x128xf32, #tpu.memory_space<vmem>>
    %dma_start3A_32 = arith.constant 0 : i32
    %dma_start3A_33 = tpu.memref_slice %arg5[%dma_start3A_26, %dma_start3A_32] : memref<640x40xi32, #tpu.memory_space<vmem>> -> memref<1x40xi32, #tpu.memory_space<vmem>>
    %dma_start3A_34 = tpu.memref_squeeze %dma_start3A_33 : memref<1x40xi32, #tpu.memory_space<vmem>> -> memref<40xi32, #tpu.memory_space<vmem>>
    %dma_start3A_35 = arith.constant 0 : i32
    %dma_start3A_36 = arith.constant 0 : i32
    %dma_start3A_37 = tpu.memref_slice %arg3[%dma_start3A_35, %dma_start3A_36] : memref<100000x128xf32, #tpu.memory_space<hbm>> -> memref<100000x128xf32, #tpu.memory_space<hbm>>
    tpu.enqueue_indirect_dma source(%dma_start3A_37 : memref<100000x128xf32, #tpu.memory_space<hbm>>) target(%dma_start3A_31 : memref<40x128xf32, #tpu.memory_space<vmem>>) offsets(%dma_start3A_34 : memref<40xi32, #tpu.memory_space<vmem>>) semaphore(%arg10 : memref<!tpu.dma_semaphore, #tpu.memory_space<semaphore_mem>>)
    %dma_start3A_38 = arith.constant 3 : i32
    %dma_start3A_39 = arith.constant 3 : i32
    %dma_start3A_40 = arith.constant 0 : i32
    %dma_start3A_41 = arith.constant 0 : i32
    %dma_start3A_42 = tpu.memref_slice %arg6[%dma_start3A_39, %dma_start3A_40, %dma_start3A_41] : memref<5x40x128xf32, #tpu.memory_space<vmem>> -> memref<1x40x128xf32, #tpu.memory_space<vmem>>
    %dma_start3A_43 = tpu.memref_squeeze %dma_start3A_42 : memref<1x40x128xf32, #tpu.memory_space<vmem>> -> memref<40x128xf32, #tpu.memory_space<vmem>>
    %dma_start3A_44 = arith.constant 0 : i32
    %dma_start3A_45 = tpu.memref_slice %arg5[%dma_start3A_38, %dma_start3A_44] : memref<640x40xi32, #tpu.memory_space<vmem>> -> memref<1x40xi32, #tpu.memory_space<vmem>>
    %dma_start3A_46 = tpu.memref_squeeze %dma_start3A_45 : memref<1x40xi32, #tpu.memory_space<vmem>> -> memref<40xi32, #tpu.memory_space<vmem>>
    %dma_start3A_47 = arith.constant 0 : i32
    %dma_start3A_48 = arith.constant 0 : i32
    %dma_start3A_49 = tpu.memref_slice %arg3[%dma_start3A_47, %dma_start3A_48] : memref<100000x128xf32, #tpu.memory_space<hbm>> -> memref<100000x128xf32, #tpu.memory_space<hbm>>
    tpu.enqueue_indirect_dma source(%dma_start3A_49 : memref<100000x128xf32, #tpu.memory_space<hbm>>) target(%dma_start3A_43 : memref<40x128xf32, #tpu.memory_space<vmem>>) offsets(%dma_start3A_46 : memref<40xi32, #tpu.memory_space<vmem>>) semaphore(%arg11 : memref<!tpu.dma_semaphore, #tpu.memory_space<semaphore_mem>>)
    %dma_start3A_50 = arith.constant 4 : i32
    %dma_start3A_51 = arith.constant 4 : i32
    %dma_start3A_52 = arith.constant 0 : i32
    %dma_start3A_53 = arith.constant 0 : i32
    %dma_start3A_54 = tpu.memref_slice %arg6[%dma_start3A_51, %dma_start3A_52, %dma_start3A_53] : memref<5x40x128xf32, #tpu.memory_space<vmem>> -> memref<1x40x128xf32, #tpu.memory_space<vmem>>
    %dma_start3A_55 = tpu.memref_squeeze %dma_start3A_54 : memref<1x40x128xf32, #tpu.memory_space<vmem>> -> memref<40x128xf32, #tpu.memory_space<vmem>>
    %dma_start3A_56 = arith.constant 0 : i32
    %dma_start3A_57 = tpu.memref_slice %arg5[%dma_start3A_50, %dma_start3A_56] : memref<640x40xi32, #tpu.memory_space<vmem>> -> memref<1x40xi32, #tpu.memory_space<vmem>>
    %dma_start3A_58 = tpu.memref_squeeze %dma_start3A_57 : memref<1x40xi32, #tpu.memory_space<vmem>> -> memref<40xi32, #tpu.memory_space<vmem>>
    %dma_start3A_59 = arith.constant 0 : i32
    %dma_start3A_60 = arith.constant 0 : i32
    %dma_start3A_61 = tpu.memref_slice %arg3[%dma_start3A_59, %dma_start3A_60] : memref<100000x128xf32, #tpu.memory_space<hbm>> -> memref<100000x128xf32, #tpu.memory_space<hbm>>
    tpu.enqueue_indirect_dma source(%dma_start3A_61 : memref<100000x128xf32, #tpu.memory_space<hbm>>) target(%dma_start3A_55 : memref<40x128xf32, #tpu.memory_space<vmem>>) offsets(%dma_start3A_58 : memref<40xi32, #tpu.memory_space<vmem>>) semaphore(%arg12 : memref<!tpu.dma_semaphore, #tpu.memory_space<semaphore_mem>>)
    %scan3A = arith.constant 0 : i32
    %scan3A_62 = arith.constant 0 : i32
    %scan3A_63 = arith.constant 128 : i32
    %scan3A_64 = arith.addi %scan3A_62, %scan3A_63 : i32
    %scan3A_65 = arith.constant 1 : i32
    scf.for %scan3A_67 = %scan3A_62 to %scan3A_64 step %scan3A_65  : i32 {
      %broadcast_in_dim3A = arith.constant 0.000000e+00 : f32
      %broadcast_in_dim3A_68 = vector.broadcast %broadcast_in_dim3A : f32 to vector<16xf32>
      %broadcast_in_dim3A_69 = arith.constant 0.000000e+00 : f32
      %broadcast_in_dim3A_70 = vector.broadcast %broadcast_in_dim3A_69 : f32 to vector<16xf32>
      %broadcast_in_dim3A_71 = arith.constant 0.000000e+00 : f32
      %broadcast_in_dim3A_72 = vector.broadcast %broadcast_in_dim3A_71 : f32 to vector<16xf32>
      %broadcast_in_dim3A_73 = arith.constant 0.000000e+00 : f32
      %broadcast_in_dim3A_74 = vector.broadcast %broadcast_in_dim3A_73 : f32 to vector<16xf32>
      %broadcast_in_dim3A_75 = arith.constant 0.000000e+00 : f32
      %broadcast_in_dim3A_76 = vector.broadcast %broadcast_in_dim3A_75 : f32 to vector<16xf32>
      %broadcast_in_dim3A_77 = arith.constant 0.000000e+00 : f32
      %broadcast_in_dim3A_78 = vector.broadcast %broadcast_in_dim3A_77 : f32 to vector<16xf32>
      %broadcast_in_dim3A_79 = arith.constant 0.000000e+00 : f32
      %broadcast_in_dim3A_80 = vector.broadcast %broadcast_in_dim3A_79 : f32 to vector<16xf32>
      %broadcast_in_dim3A_81 = arith.constant 0.000000e+00 : f32
      %broadcast_in_dim3A_82 = vector.broadcast %broadcast_in_dim3A_81 : f32 to vector<16xf32>
      %dma_wait3A = arith.constant 0 : i32
      %dma_wait3A_83 = arith.constant 0 : i32
      %dma_wait3A_84 = arith.constant 0 : i32
      %dma_wait3A_85 = tpu.memref_slice %arg6[%dma_wait3A, %dma_wait3A_83, %dma_wait3A_84] : memref<5x40x128xf32, #tpu.memory_space<vmem>> -> memref<1x40x128xf32, #tpu.memory_space<vmem>>
      %dma_wait3A_86 = tpu.memref_squeeze %dma_wait3A_85 : memref<1x40x128xf32, #tpu.memory_space<vmem>> -> memref<40x128xf32, #tpu.memory_space<vmem>>
      %dma_wait3A_87 = arith.constant 0 : i32
      %dma_wait3A_88 = arith.constant 0 : i32
      %dma_wait3A_89 = tpu.memref_slice %arg3[%dma_wait3A_87, %dma_wait3A_88] : memref<100000x128xf32, #tpu.memory_space<hbm>> -> memref<40x128xf32, #tpu.memory_space<hbm>>
      %dma_wait3A_90 = arith.constant 0 : i32
      %dma_wait3A_91 = arith.constant 0 : i32
      %dma_wait3A_92 = tpu.memref_slice %arg6[%dma_wait3A, %dma_wait3A_90, %dma_wait3A_91] : memref<5x40x128xf32, #tpu.memory_space<vmem>> -> memref<1x40x128xf32, #tpu.memory_space<vmem>>
      %dma_wait3A_93 = tpu.memref_squeeze %dma_wait3A_92 : memref<1x40x128xf32, #tpu.memory_space<vmem>> -> memref<40x128xf32, #tpu.memory_space<vmem>>
      %dma_wait3A_94 = arith.constant 0 : i32
      %dma_wait3A_95 = arith.constant 0 : i32
      %dma_wait3A_96 = tpu.memref_slice %arg3[%dma_wait3A_94, %dma_wait3A_95] : memref<100000x128xf32, #tpu.memory_space<hbm>> -> memref<40x128xf32, #tpu.memory_space<hbm>>
      tpu.wait_dma2 semaphore(%arg8 : memref<!tpu.dma_semaphore, #tpu.memory_space<semaphore_mem>>) src(%dma_wait3A_96 : memref<40x128xf32, #tpu.memory_space<hbm>>) dst(%dma_wait3A_93 : memref<40x128xf32, #tpu.memory_space<vmem>>)
      %parallel_loop3A = arith.constant 0 : i32
      %parallel_loop3A_97 = arith.constant 40 : i32
      %parallel_loop3A_98 = arith.constant 1 : i32
      %parallel_loop3A_99:8 = scf.for %parallel_loop3A_276 = %parallel_loop3A to %parallel_loop3A_97 step %parallel_loop3A_98 iter_args(%parallel_loop3A_277 = %broadcast_in_dim3A_68, %parallel_loop3A_278 = %broadcast_in_dim3A_70, %parallel_loop3A_279 = %broadcast_in_dim3A_72, %parallel_loop3A_280 = %broadcast_in_dim3A_74, %parallel_loop3A_281 = %broadcast_in_dim3A_76, %parallel_loop3A_282 = %broadcast_in_dim3A_78, %parallel_loop3A_283 = %broadcast_in_dim3A_80, %parallel_loop3A_284 = %broadcast_in_dim3A_82) -> (vector<16xf32>, vector<16xf32>, vector<16xf32>, vector<16xf32>, vector<16xf32>, vector<16xf32>, vector<16xf32>, vector<16xf32>)  : i32 {
        %parallel_loop3A_285 = arith.constant 0 : i32
        %parallel_loop3A_286 = arith.index_cast %parallel_loop3A_285 : i32 to index
        %parallel_loop3A_287 = arith.index_cast %parallel_loop3A_276 : i32 to index
        %parallel_loop3A_288 = arith.constant 0 : index
        %parallel_loop3A_289 = tpu.vector_load %arg6[%parallel_loop3A_286, %parallel_loop3A_287, %parallel_loop3A_288] {strides = array<i32>} : memref<5x40x128xf32, #tpu.memory_space<vmem>>, vector<1x1x16xf32>,
        %parallel_loop3A_290 = vector.shape_cast %parallel_loop3A_289 : vector<1x1x16xf32> to vector<16xf32>
        %parallel_loop3A_291 = arith.addf %parallel_loop3A_277, %parallel_loop3A_290 : vector<16xf32>
        %parallel_loop3A_292 = arith.constant 0 : i32
        %parallel_loop3A_293 = arith.index_cast %parallel_loop3A_292 : i32 to index
        %parallel_loop3A_294 = arith.index_cast %parallel_loop3A_276 : i32 to index
        %parallel_loop3A_295 = arith.constant 16 : index
        %parallel_loop3A_296 = tpu.vector_load %arg6[%parallel_loop3A_293, %parallel_loop3A_294, %parallel_loop3A_295] {strides = array<i32>} : memref<5x40x128xf32, #tpu.memory_space<vmem>>, vector<1x1x16xf32>,
        %parallel_loop3A_297 = vector.shape_cast %parallel_loop3A_296 : vector<1x1x16xf32> to vector<16xf32>
        %parallel_loop3A_298 = arith.addf %parallel_loop3A_278, %parallel_loop3A_297 : vector<16xf32>
        %parallel_loop3A_299 = arith.constant 0 : i32
        %parallel_loop3A_300 = arith.index_cast %parallel_loop3A_299 : i32 to index
        %parallel_loop3A_301 = arith.index_cast %parallel_loop3A_276 : i32 to index
        %parallel_loop3A_302 = arith.constant 32 : index
        %parallel_loop3A_303 = tpu.vector_load %arg6[%parallel_loop3A_300, %parallel_loop3A_301, %parallel_loop3A_302] {strides = array<i32>} : memref<5x40x128xf32, #tpu.memory_space<vmem>>, vector<1x1x16xf32>,
        %parallel_loop3A_304 = vector.shape_cast %parallel_loop3A_303 : vector<1x1x16xf32> to vector<16xf32>
        %parallel_loop3A_305 = arith.addf %parallel_loop3A_279, %parallel_loop3A_304 : vector<16xf32>
        %parallel_loop3A_306 = arith.constant 0 : i32
        %parallel_loop3A_307 = arith.index_cast %parallel_loop3A_306 : i32 to index
        %parallel_loop3A_308 = arith.index_cast %parallel_loop3A_276 : i32 to index
        %parallel_loop3A_309 = arith.constant 48 : index
        %parallel_loop3A_310 = tpu.vector_load %arg6[%parallel_loop3A_307, %parallel_loop3A_308, %parallel_loop3A_309] {strides = array<i32>} : memref<5x40x128xf32, #tpu.memory_space<vmem>>, vector<1x1x16xf32>,
        %parallel_loop3A_311 = vector.shape_cast %parallel_loop3A_310 : vector<1x1x16xf32> to vector<16xf32>
        %parallel_loop3A_312 = arith.addf %parallel_loop3A_280, %parallel_loop3A_311 : vector<16xf32>
        %parallel_loop3A_313 = arith.constant 0 : i32
        %parallel_loop3A_314 = arith.index_cast %parallel_loop3A_313 : i32 to index
        %parallel_loop3A_315 = arith.index_cast %parallel_loop3A_276 : i32 to index
        %parallel_loop3A_316 = arith.constant 64 : index
        %parallel_loop3A_317 = tpu.vector_load %arg6[%parallel_loop3A_314, %parallel_loop3A_315, %parallel_loop3A_316] {strides = array<i32>} : memref<5x40x128xf32, #tpu.memory_space<vmem>>, vector<1x1x16xf32>,
        %parallel_loop3A_318 = vector.shape_cast %parallel_loop3A_317 : vector<1x1x16xf32> to vector<16xf32>
        %parallel_loop3A_319 = arith.addf %parallel_loop3A_281, %parallel_loop3A_318 : vector<16xf32>
        %parallel_loop3A_320 = arith.constant 0 : i32
        %parallel_loop3A_321 = arith.index_cast %parallel_loop3A_320 : i32 to index
        %parallel_loop3A_322 = arith.index_cast %parallel_loop3A_276 : i32 to index
        %parallel_loop3A_323 = arith.constant 80 : index
        %parallel_loop3A_324 = tpu.vector_load %arg6[%parallel_loop3A_321, %parallel_loop3A_322, %parallel_loop3A_323] {strides = array<i32>} : memref<5x40x128xf32, #tpu.memory_space<vmem>>, vector<1x1x16xf32>,
        %parallel_loop3A_325 = vector.shape_cast %parallel_loop3A_324 : vector<1x1x16xf32> to vector<16xf32>
        %parallel_loop3A_326 = arith.addf %parallel_loop3A_282, %parallel_loop3A_325 : vector<16xf32>
        %parallel_loop3A_327 = arith.constant 0 : i32
        %parallel_loop3A_328 = arith.index_cast %parallel_loop3A_327 : i32 to index
        %parallel_loop3A_329 = arith.index_cast %parallel_loop3A_276 : i32 to index
        %parallel_loop3A_330 = arith.constant 96 : index
        %parallel_loop3A_331 = tpu.vector_load %arg6[%parallel_loop3A_328, %parallel_loop3A_329, %parallel_loop3A_330] {strides = array<i32>} : memref<5x40x128xf32, #tpu.memory_space<vmem>>, vector<1x1x16xf32>,
        %parallel_loop3A_332 = vector.shape_cast %parallel_loop3A_331 : vector<1x1x16xf32> to vector<16xf32>
        %parallel_loop3A_333 = arith.addf %parallel_loop3A_283, %parallel_loop3A_332 : vector<16xf32>
        %parallel_loop3A_334 = arith.constant 0 : i32
        %parallel_loop3A_335 = arith.index_cast %parallel_loop3A_334 : i32 to index
        %parallel_loop3A_336 = arith.index_cast %parallel_loop3A_276 : i32 to index
        %parallel_loop3A_337 = arith.constant 112 : index
        %parallel_loop3A_338 = tpu.vector_load %arg6[%parallel_loop3A_335, %parallel_loop3A_336, %parallel_loop3A_337] {strides = array<i32>} : memref<5x40x128xf32, #tpu.memory_space<vmem>>, vector<1x1x16xf32>,
        %parallel_loop3A_339 = vector.shape_cast %parallel_loop3A_338 : vector<1x1x16xf32> to vector<16xf32>
        %parallel_loop3A_340 = arith.addf %parallel_loop3A_284, %parallel_loop3A_339 : vector<16xf32>
        scf.yield %parallel_loop3A_291, %parallel_loop3A_298, %parallel_loop3A_305, %parallel_loop3A_312, %parallel_loop3A_319, %parallel_loop3A_326, %parallel_loop3A_333, %parallel_loop3A_340 : vector<16xf32>, vector<16xf32>, vector<16xf32>, vector<16xf32>, vector<16xf32>, vector<16xf32>, vector<16xf32>, vector<16xf32>
      } {sc.loop_unroll_factor = 8 : i64, sc.parallel_access}
      %add3A_100 = arith.constant 1 : i32
      %add3A_101 = arith.addi %scan3A_67, %add3A_100 : i32
      %lt3A = arith.constant 128 : i32
      %lt3A_102 = arith.cmpi slt, %add3A_101, %lt3A : i32
      %convert_element_type3A = arith.extui %lt3A_102 : i1 to i32
      %cond3A = arith.constant 0 : i32
      %cond3A_103 = arith.cmpi ne, %convert_element_type3A, %cond3A : i32
      scf.if %cond3A_103 {
        %add3A_276 = arith.constant 1 : i32
        %add3A_277 = arith.addi %scan3A_67, %add3A_276 : i32
        %mul3A_278 = arith.constant 5 : i32
        %mul3A_279 = arith.muli %add3A_277, %mul3A_278 : i32
        %add3A_280 = arith.constant 0 : i32
        %add3A_281 = arith.addi %mul3A_279, %add3A_280 : i32
        %dma_start3A_282 = arith.constant 0 : i32
        %dma_start3A_283 = arith.constant 0 : i32
        %dma_start3A_284 = arith.constant 0 : i32
        %dma_start3A_285 = tpu.memref_slice %arg6[%dma_start3A_282, %dma_start3A_283, %dma_start3A_284] : memref<5x40x128xf32, #tpu.memory_space<vmem>> -> memref<1x40x128xf32, #tpu.memory_space<vmem>>
        %dma_start3A_286 = tpu.memref_squeeze %dma_start3A_285 : memref<1x40x128xf32, #tpu.memory_space<vmem>> -> memref<40x128xf32, #tpu.memory_space<vmem>>
        %dma_start3A_287 = arith.constant 0 : i32
        %dma_start3A_288 = tpu.memref_slice %arg5[%add3A_281, %dma_start3A_287] : memref<640x40xi32, #tpu.memory_space<vmem>> -> memref<1x40xi32, #tpu.memory_space<vmem>>
        %dma_start3A_289 = tpu.memref_squeeze %dma_start3A_288 : memref<1x40xi32, #tpu.memory_space<vmem>> -> memref<40xi32, #tpu.memory_space<vmem>>
        %dma_start3A_290 = arith.constant 0 : i32
        %dma_start3A_291 = arith.constant 0 : i32
        %dma_start3A_292 = tpu.memref_slice %arg3[%dma_start3A_290, %dma_start3A_291] : memref<100000x128xf32, #tpu.memory_space<hbm>> -> memref<100000x128xf32, #tpu.memory_space<hbm>>
        tpu.enqueue_indirect_dma source(%dma_start3A_292 : memref<100000x128xf32, #tpu.memory_space<hbm>>) target(%dma_start3A_286 : memref<40x128xf32, #tpu.memory_space<vmem>>) offsets(%dma_start3A_289 : memref<40xi32, #tpu.memory_space<vmem>>) semaphore(%arg8 : memref<!tpu.dma_semaphore, #tpu.memory_space<semaphore_mem>>)
      } else {
      }
      %dma_wait3A_104 = arith.constant 1 : i32
      %dma_wait3A_105 = arith.constant 0 : i32
      %dma_wait3A_106 = arith.constant 0 : i32
      %dma_wait3A_107 = tpu.memref_slice %arg6[%dma_wait3A_104, %dma_wait3A_105, %dma_wait3A_106] : memref<5x40x128xf32, #tpu.memory_space<vmem>> -> memref<1x40x128xf32, #tpu.memory_space<vmem>>
      %dma_wait3A_108 = tpu.memref_squeeze %dma_wait3A_107 : memref<1x40x128xf32, #tpu.memory_space<vmem>> -> memref<40x128xf32, #tpu.memory_space<vmem>>
      %dma_wait3A_109 = arith.constant 0 : i32
      %dma_wait3A_110 = arith.constant 0 : i32
      %dma_wait3A_111 = tpu.memref_slice %arg3[%dma_wait3A_109, %dma_wait3A_110] : memref<100000x128xf32, #tpu.memory_space<hbm>> -> memref<40x128xf32, #tpu.memory_space<hbm>>
      %dma_wait3A_112 = arith.constant 0 : i32
      %dma_wait3A_113 = arith.constant 0 : i32
      %dma_wait3A_114 = tpu.memref_slice %arg6[%dma_wait3A_104, %dma_wait3A_112, %dma_wait3A_113] : memref<5x40x128xf32, #tpu.memory_space<vmem>> -> memref<1x40x128xf32, #tpu.memory_space<vmem>>
      %dma_wait3A_115 = tpu.memref_squeeze %dma_wait3A_114 : memref<1x40x128xf32, #tpu.memory_space<vmem>> -> memref<40x128xf32, #tpu.memory_space<vmem>>
      %dma_wait3A_116 = arith.constant 0 : i32
      %dma_wait3A_117 = arith.constant 0 : i32
      %dma_wait3A_118 = tpu.memref_slice %arg3[%dma_wait3A_116, %dma_wait3A_117] : memref<100000x128xf32, #tpu.memory_space<hbm>> -> memref<40x128xf32, #tpu.memory_space<hbm>>
      tpu.wait_dma2 semaphore(%arg9 : memref<!tpu.dma_semaphore, #tpu.memory_space<semaphore_mem>>) src(%dma_wait3A_118 : memref<40x128xf32, #tpu.memory_space<hbm>>) dst(%dma_wait3A_115 : memref<40x128xf32, #tpu.memory_space<vmem>>)
      %parallel_loop3A_119 = arith.constant 0 : i32
      %parallel_loop3A_120 = arith.constant 40 : i32
      %parallel_loop3A_121 = arith.constant 1 : i32
      %parallel_loop3A_122:8 = scf.for %parallel_loop3A_276 = %parallel_loop3A_119 to %parallel_loop3A_120 step %parallel_loop3A_121 iter_args(%parallel_loop3A_277 = %parallel_loop3A_99#0, %parallel_loop3A_278 = %parallel_loop3A_99#1, %parallel_loop3A_279 = %parallel_loop3A_99#2, %parallel_loop3A_280 = %parallel_loop3A_99#3, %parallel_loop3A_281 = %parallel_loop3A_99#4, %parallel_loop3A_282 = %parallel_loop3A_99#5, %parallel_loop3A_283 = %parallel_loop3A_99#6, %parallel_loop3A_284 = %parallel_loop3A_99#7) -> (vector<16xf32>, vector<16xf32>, vector<16xf32>, vector<16xf32>, vector<16xf32>, vector<16xf32>, vector<16xf32>, vector<16xf32>)  : i32 {
        %parallel_loop3A_285 = arith.constant 1 : i32
        %parallel_loop3A_286 = arith.index_cast %parallel_loop3A_285 : i32 to index
        %parallel_loop3A_287 = arith.index_cast %parallel_loop3A_276 : i32 to index
        %parallel_loop3A_288 = arith.constant 0 : index
        %parallel_loop3A_289 = tpu.vector_load %arg6[%parallel_loop3A_286, %parallel_loop3A_287, %parallel_loop3A_288] {strides = array<i32>} : memref<5x40x128xf32, #tpu.memory_space<vmem>>, vector<1x1x16xf32>,
        %parallel_loop3A_290 = vector.shape_cast %parallel_loop3A_289 : vector<1x1x16xf32> to vector<16xf32>
        %parallel_loop3A_291 = arith.addf %parallel_loop3A_277, %parallel_loop3A_290 : vector<16xf32>
        %parallel_loop3A_292 = arith.constant 1 : i32
        %parallel_loop3A_293 = arith.index_cast %parallel_loop3A_292 : i32 to index
        %parallel_loop3A_294 = arith.index_cast %parallel_loop3A_276 : i32 to index
        %parallel_loop3A_295 = arith.constant 16 : index
        %parallel_loop3A_296 = tpu.vector_load %arg6[%parallel_loop3A_293, %parallel_loop3A_294, %parallel_loop3A_295] {strides = array<i32>} : memref<5x40x128xf32, #tpu.memory_space<vmem>>, vector<1x1x16xf32>,
        %parallel_loop3A_297 = vector.shape_cast %parallel_loop3A_296 : vector<1x1x16xf32> to vector<16xf32>
        %parallel_loop3A_298 = arith.addf %parallel_loop3A_278, %parallel_loop3A_297 : vector<16xf32>
        %parallel_loop3A_299 = arith.constant 1 : i32
        %parallel_loop3A_300 = arith.index_cast %parallel_loop3A_299 : i32 to index
        %parallel_loop3A_301 = arith.index_cast %parallel_loop3A_276 : i32 to index
        %parallel_loop3A_302 = arith.constant 32 : index
        %parallel_loop3A_303 = tpu.vector_load %arg6[%parallel_loop3A_300, %parallel_loop3A_301, %parallel_loop3A_302] {strides = array<i32>} : memref<5x40x128xf32, #tpu.memory_space<vmem>>, vector<1x1x16xf32>,
        %parallel_loop3A_304 = vector.shape_cast %parallel_loop3A_303 : vector<1x1x16xf32> to vector<16xf32>
        %parallel_loop3A_305 = arith.addf %parallel_loop3A_279, %parallel_loop3A_304 : vector<16xf32>
        %parallel_loop3A_306 = arith.constant 1 : i32
        %parallel_loop3A_307 = arith.index_cast %parallel_loop3A_306 : i32 to index
        %parallel_loop3A_308 = arith.index_cast %parallel_loop3A_276 : i32 to index
        %parallel_loop3A_309 = arith.constant 48 : index
        %parallel_loop3A_310 = tpu.vector_load %arg6[%parallel_loop3A_307, %parallel_loop3A_308, %parallel_loop3A_309] {strides = array<i32>} : memref<5x40x128xf32, #tpu.memory_space<vmem>>, vector<1x1x16xf32>,
        %parallel_loop3A_311 = vector.shape_cast %parallel_loop3A_310 : vector<1x1x16xf32> to vector<16xf32>
        %parallel_loop3A_312 = arith.addf %parallel_loop3A_280, %parallel_loop3A_311 : vector<16xf32>
        %parallel_loop3A_313 = arith.constant 1 : i32
        %parallel_loop3A_314 = arith.index_cast %parallel_loop3A_313 : i32 to index
        %parallel_loop3A_315 = arith.index_cast %parallel_loop3A_276 : i32 to index
        %parallel_loop3A_316 = arith.constant 64 : index
        %parallel_loop3A_317 = tpu.vector_load %arg6[%parallel_loop3A_314, %parallel_loop3A_315, %parallel_loop3A_316] {strides = array<i32>} : memref<5x40x128xf32, #tpu.memory_space<vmem>>, vector<1x1x16xf32>,
        %parallel_loop3A_318 = vector.shape_cast %parallel_loop3A_317 : vector<1x1x16xf32> to vector<16xf32>
        %parallel_loop3A_319 = arith.addf %parallel_loop3A_281, %parallel_loop3A_318 : vector<16xf32>
        %parallel_loop3A_320 = arith.constant 1 : i32
        %parallel_loop3A_321 = arith.index_cast %parallel_loop3A_320 : i32 to index
        %parallel_loop3A_322 = arith.index_cast %parallel_loop3A_276 : i32 to index
        %parallel_loop3A_323 = arith.constant 80 : index
        %parallel_loop3A_324 = tpu.vector_load %arg6[%parallel_loop3A_321, %parallel_loop3A_322, %parallel_loop3A_323] {strides = array<i32>} : memref<5x40x128xf32, #tpu.memory_space<vmem>>, vector<1x1x16xf32>,
        %parallel_loop3A_325 = vector.shape_cast %parallel_loop3A_324 : vector<1x1x16xf32> to vector<16xf32>
        %parallel_loop3A_326 = arith.addf %parallel_loop3A_282, %parallel_loop3A_325 : vector<16xf32>
        %parallel_loop3A_327 = arith.constant 1 : i32
        %parallel_loop3A_328 = arith.index_cast %parallel_loop3A_327 : i32 to index
        %parallel_loop3A_329 = arith.index_cast %parallel_loop3A_276 : i32 to index
        %parallel_loop3A_330 = arith.constant 96 : index
        %parallel_loop3A_331 = tpu.vector_load %arg6[%parallel_loop3A_328, %parallel_loop3A_329, %parallel_loop3A_330] {strides = array<i32>} : memref<5x40x128xf32, #tpu.memory_space<vmem>>, vector<1x1x16xf32>,
        %parallel_loop3A_332 = vector.shape_cast %parallel_loop3A_331 : vector<1x1x16xf32> to vector<16xf32>
        %parallel_loop3A_333 = arith.addf %parallel_loop3A_283, %parallel_loop3A_332 : vector<16xf32>
        %parallel_loop3A_334 = arith.constant 1 : i32
        %parallel_loop3A_335 = arith.index_cast %parallel_loop3A_334 : i32 to index
        %parallel_loop3A_336 = arith.index_cast %parallel_loop3A_276 : i32 to index
        %parallel_loop3A_337 = arith.constant 112 : index
        %parallel_loop3A_338 = tpu.vector_load %arg6[%parallel_loop3A_335, %parallel_loop3A_336, %parallel_loop3A_337] {strides = array<i32>} : memref<5x40x128xf32, #tpu.memory_space<vmem>>, vector<1x1x16xf32>,
        %parallel_loop3A_339 = vector.shape_cast %parallel_loop3A_338 : vector<1x1x16xf32> to vector<16xf32>
        %parallel_loop3A_340 = arith.addf %parallel_loop3A_284, %parallel_loop3A_339 : vector<16xf32>
        scf.yield %parallel_loop3A_291, %parallel_loop3A_298, %parallel_loop3A_305, %parallel_loop3A_312, %parallel_loop3A_319, %parallel_loop3A_326, %parallel_loop3A_333, %parallel_loop3A_340 : vector<16xf32>, vector<16xf32>, vector<16xf32>, vector<16xf32>, vector<16xf32>, vector<16xf32>, vector<16xf32>, vector<16xf32>
      } {sc.loop_unroll_factor = 8 : i64, sc.parallel_access}
      %add3A_123 = arith.constant 1 : i32
      %add3A_124 = arith.addi %scan3A_67, %add3A_123 : i32
      %lt3A_125 = arith.constant 128 : i32
      %lt3A_126 = arith.cmpi slt, %add3A_124, %lt3A_125 : i32
      %convert_element_type3A_127 = arith.extui %lt3A_126 : i1 to i32
      %cond3A_128 = arith.constant 0 : i32
      %cond3A_129 = arith.cmpi ne, %convert_element_type3A_127, %cond3A_128 : i32
      scf.if %cond3A_129 {
        %add3A_276 = arith.constant 1 : i32
        %add3A_277 = arith.addi %scan3A_67, %add3A_276 : i32
        %mul3A_278 = arith.constant 5 : i32
        %mul3A_279 = arith.muli %add3A_277, %mul3A_278 : i32
        %add3A_280 = arith.constant 1 : i32
        %add3A_281 = arith.addi %mul3A_279, %add3A_280 : i32
        %dma_start3A_282 = arith.constant 1 : i32
        %dma_start3A_283 = arith.constant 0 : i32
        %dma_start3A_284 = arith.constant 0 : i32
        %dma_start3A_285 = tpu.memref_slice %arg6[%dma_start3A_282, %dma_start3A_283, %dma_start3A_284] : memref<5x40x128xf32, #tpu.memory_space<vmem>> -> memref<1x40x128xf32, #tpu.memory_space<vmem>>
        %dma_start3A_286 = tpu.memref_squeeze %dma_start3A_285 : memref<1x40x128xf32, #tpu.memory_space<vmem>> -> memref<40x128xf32, #tpu.memory_space<vmem>>
        %dma_start3A_287 = arith.constant 0 : i32
        %dma_start3A_288 = tpu.memref_slice %arg5[%add3A_281, %dma_start3A_287] : memref<640x40xi32, #tpu.memory_space<vmem>> -> memref<1x40xi32, #tpu.memory_space<vmem>>
        %dma_start3A_289 = tpu.memref_squeeze %dma_start3A_288 : memref<1x40xi32, #tpu.memory_space<vmem>> -> memref<40xi32, #tpu.memory_space<vmem>>
        %dma_start3A_290 = arith.constant 0 : i32
        %dma_start3A_291 = arith.constant 0 : i32
        %dma_start3A_292 = tpu.memref_slice %arg3[%dma_start3A_290, %dma_start3A_291] : memref<100000x128xf32, #tpu.memory_space<hbm>> -> memref<100000x128xf32, #tpu.memory_space<hbm>>
        tpu.enqueue_indirect_dma source(%dma_start3A_292 : memref<100000x128xf32, #tpu.memory_space<hbm>>) target(%dma_start3A_286 : memref<40x128xf32, #tpu.memory_space<vmem>>) offsets(%dma_start3A_289 : memref<40xi32, #tpu.memory_space<vmem>>) semaphore(%arg9 : memref<!tpu.dma_semaphore, #tpu.memory_space<semaphore_mem>>)
      } else {
      }
      %dma_wait3A_130 = arith.constant 2 : i32
      %dma_wait3A_131 = arith.constant 0 : i32
      %dma_wait3A_132 = arith.constant 0 : i32
      %dma_wait3A_133 = tpu.memref_slice %arg6[%dma_wait3A_130, %dma_wait3A_131, %dma_wait3A_132] : memref<5x40x128xf32, #tpu.memory_space<vmem>> -> memref<1x40x128xf32, #tpu.memory_space<vmem>>
      %dma_wait3A_134 = tpu.memref_squeeze %dma_wait3A_133 : memref<1x40x128xf32, #tpu.memory_space<vmem>> -> memref<40x128xf32, #tpu.memory_space<vmem>>
      %dma_wait3A_135 = arith.constant 0 : i32
      %dma_wait3A_136 = arith.constant 0 : i32
      %dma_wait3A_137 = tpu.memref_slice %arg3[%dma_wait3A_135, %dma_wait3A_136] : memref<100000x128xf32, #tpu.memory_space<hbm>> -> memref<40x128xf32, #tpu.memory_space<hbm>>
      %dma_wait3A_138 = arith.constant 0 : i32
      %dma_wait3A_139 = arith.constant 0 : i32
      %dma_wait3A_140 = tpu.memref_slice %arg6[%dma_wait3A_130, %dma_wait3A_138, %dma_wait3A_139] : memref<5x40x128xf32, #tpu.memory_space<vmem>> -> memref<1x40x128xf32, #tpu.memory_space<vmem>>
      %dma_wait3A_141 = tpu.memref_squeeze %dma_wait3A_140 : memref<1x40x128xf32, #tpu.memory_space<vmem>> -> memref<40x128xf32, #tpu.memory_space<vmem>>
      %dma_wait3A_142 = arith.constant 0 : i32
      %dma_wait3A_143 = arith.constant 0 : i32
      %dma_wait3A_144 = tpu.memref_slice %arg3[%dma_wait3A_142, %dma_wait3A_143] : memref<100000x128xf32, #tpu.memory_space<hbm>> -> memref<40x128xf32, #tpu.memory_space<hbm>>
      tpu.wait_dma2 semaphore(%arg10 : memref<!tpu.dma_semaphore, #tpu.memory_space<semaphore_mem>>) src(%dma_wait3A_144 : memref<40x128xf32, #tpu.memory_space<hbm>>) dst(%dma_wait3A_141 : memref<40x128xf32, #tpu.memory_space<vmem>>)
      %parallel_loop3A_145 = arith.constant 0 : i32
      %parallel_loop3A_146 = arith.constant 40 : i32
      %parallel_loop3A_147 = arith.constant 1 : i32
      %parallel_loop3A_148:8 = scf.for %parallel_loop3A_276 = %parallel_loop3A_145 to %parallel_loop3A_146 step %parallel_loop3A_147 iter_args(%parallel_loop3A_277 = %parallel_loop3A_122#0, %parallel_loop3A_278 = %parallel_loop3A_122#1, %parallel_loop3A_279 = %parallel_loop3A_122#2, %parallel_loop3A_280 = %parallel_loop3A_122#3, %parallel_loop3A_281 = %parallel_loop3A_122#4, %parallel_loop3A_282 = %parallel_loop3A_122#5, %parallel_loop3A_283 = %parallel_loop3A_122#6, %parallel_loop3A_284 = %parallel_loop3A_122#7) -> (vector<16xf32>, vector<16xf32>, vector<16xf32>, vector<16xf32>, vector<16xf32>, vector<16xf32>, vector<16xf32>, vector<16xf32>)  : i32 {
        %parallel_loop3A_285 = arith.constant 2 : i32
        %parallel_loop3A_286 = arith.index_cast %parallel_loop3A_285 : i32 to index
        %parallel_loop3A_287 = arith.index_cast %parallel_loop3A_276 : i32 to index
        %parallel_loop3A_288 = arith.constant 0 : index
        %parallel_loop3A_289 = tpu.vector_load %arg6[%parallel_loop3A_286, %parallel_loop3A_287, %parallel_loop3A_288] {strides = array<i32>} : memref<5x40x128xf32, #tpu.memory_space<vmem>>, vector<1x1x16xf32>,
        %parallel_loop3A_290 = vector.shape_cast %parallel_loop3A_289 : vector<1x1x16xf32> to vector<16xf32>
        %parallel_loop3A_291 = arith.addf %parallel_loop3A_277, %parallel_loop3A_290 : vector<16xf32>
        %parallel_loop3A_292 = arith.constant 2 : i32
        %parallel_loop3A_293 = arith.index_cast %parallel_loop3A_292 : i32 to index
        %parallel_loop3A_294 = arith.index_cast %parallel_loop3A_276 : i32 to index
        %parallel_loop3A_295 = arith.constant 16 : index
        %parallel_loop3A_296 = tpu.vector_load %arg6[%parallel_loop3A_293, %parallel_loop3A_294, %parallel_loop3A_295] {strides = array<i32>} : memref<5x40x128xf32, #tpu.memory_space<vmem>>, vector<1x1x16xf32>,
        %parallel_loop3A_297 = vector.shape_cast %parallel_loop3A_296 : vector<1x1x16xf32> to vector<16xf32>
        %parallel_loop3A_298 = arith.addf %parallel_loop3A_278, %parallel_loop3A_297 : vector<16xf32>
        %parallel_loop3A_299 = arith.constant 2 : i32
        %parallel_loop3A_300 = arith.index_cast %parallel_loop3A_299 : i32 to index
        %parallel_loop3A_301 = arith.index_cast %parallel_loop3A_276 : i32 to index
        %parallel_loop3A_302 = arith.constant 32 : index
        %parallel_loop3A_303 = tpu.vector_load %arg6[%parallel_loop3A_300, %parallel_loop3A_301, %parallel_loop3A_302] {strides = array<i32>} : memref<5x40x128xf32, #tpu.memory_space<vmem>>, vector<1x1x16xf32>,
        %parallel_loop3A_304 = vector.shape_cast %parallel_loop3A_303 : vector<1x1x16xf32> to vector<16xf32>
        %parallel_loop3A_305 = arith.addf %parallel_loop3A_279, %parallel_loop3A_304 : vector<16xf32>
        %parallel_loop3A_306 = arith.constant 2 : i32
        %parallel_loop3A_307 = arith.index_cast %parallel_loop3A_306 : i32 to index
        %parallel_loop3A_308 = arith.index_cast %parallel_loop3A_276 : i32 to index
        %parallel_loop3A_309 = arith.constant 48 : index
        %parallel_loop3A_310 = tpu.vector_load %arg6[%parallel_loop3A_307, %parallel_loop3A_308, %parallel_loop3A_309] {strides = array<i32>} : memref<5x40x128xf32, #tpu.memory_space<vmem>>, vector<1x1x16xf32>,
        %parallel_loop3A_311 = vector.shape_cast %parallel_loop3A_310 : vector<1x1x16xf32> to vector<16xf32>
        %parallel_loop3A_312 = arith.addf %parallel_loop3A_280, %parallel_loop3A_311 : vector<16xf32>
        %parallel_loop3A_313 = arith.constant 2 : i32
        %parallel_loop3A_314 = arith.index_cast %parallel_loop3A_313 : i32 to index
        %parallel_loop3A_315 = arith.index_cast %parallel_loop3A_276 : i32 to index
        %parallel_loop3A_316 = arith.constant 64 : index
        %parallel_loop3A_317 = tpu.vector_load %arg6[%parallel_loop3A_314, %parallel_loop3A_315, %parallel_loop3A_316] {strides = array<i32>} : memref<5x40x128xf32, #tpu.memory_space<vmem>>, vector<1x1x16xf32>,
        %parallel_loop3A_318 = vector.shape_cast %parallel_loop3A_317 : vector<1x1x16xf32> to vector<16xf32>
        %parallel_loop3A_319 = arith.addf %parallel_loop3A_281, %parallel_loop3A_318 : vector<16xf32>
        %parallel_loop3A_320 = arith.constant 2 : i32
        %parallel_loop3A_321 = arith.index_cast %parallel_loop3A_320 : i32 to index
        %parallel_loop3A_322 = arith.index_cast %parallel_loop3A_276 : i32 to index
        %parallel_loop3A_323 = arith.constant 80 : index
        %parallel_loop3A_324 = tpu.vector_load %arg6[%parallel_loop3A_321, %parallel_loop3A_322, %parallel_loop3A_323] {strides = array<i32>} : memref<5x40x128xf32, #tpu.memory_space<vmem>>, vector<1x1x16xf32>,
        %parallel_loop3A_325 = vector.shape_cast %parallel_loop3A_324 : vector<1x1x16xf32> to vector<16xf32>
        %parallel_loop3A_326 = arith.addf %parallel_loop3A_282, %parallel_loop3A_325 : vector<16xf32>
        %parallel_loop3A_327 = arith.constant 2 : i32
        %parallel_loop3A_328 = arith.index_cast %parallel_loop3A_327 : i32 to index
        %parallel_loop3A_329 = arith.index_cast %parallel_loop3A_276 : i32 to index
        %parallel_loop3A_330 = arith.constant 96 : index
        %parallel_loop3A_331 = tpu.vector_load %arg6[%parallel_loop3A_328, %parallel_loop3A_329, %parallel_loop3A_330] {strides = array<i32>} : memref<5x40x128xf32, #tpu.memory_space<vmem>>, vector<1x1x16xf32>,
        %parallel_loop3A_332 = vector.shape_cast %parallel_loop3A_331 : vector<1x1x16xf32> to vector<16xf32>
        %parallel_loop3A_333 = arith.addf %parallel_loop3A_283, %parallel_loop3A_332 : vector<16xf32>
        %parallel_loop3A_334 = arith.constant 2 : i32
        %parallel_loop3A_335 = arith.index_cast %parallel_loop3A_334 : i32 to index
        %parallel_loop3A_336 = arith.index_cast %parallel_loop3A_276 : i32 to index
        %parallel_loop3A_337 = arith.constant 112 : index
        %parallel_loop3A_338 = tpu.vector_load %arg6[%parallel_loop3A_335, %parallel_loop3A_336, %parallel_loop3A_337] {strides = array<i32>} : memref<5x40x128xf32, #tpu.memory_space<vmem>>, vector<1x1x16xf32>,
        %parallel_loop3A_339 = vector.shape_cast %parallel_loop3A_338 : vector<1x1x16xf32> to vector<16xf32>
        %parallel_loop3A_340 = arith.addf %parallel_loop3A_284, %parallel_loop3A_339 : vector<16xf32>
        scf.yield %parallel_loop3A_291, %parallel_loop3A_298, %parallel_loop3A_305, %parallel_loop3A_312, %parallel_loop3A_319, %parallel_loop3A_326, %parallel_loop3A_333, %parallel_loop3A_340 : vector<16xf32>, vector<16xf32>, vector<16xf32>, vector<16xf32>, vector<16xf32>, vector<16xf32>, vector<16xf32>, vector<16xf32>
      } {sc.loop_unroll_factor = 8 : i64, sc.parallel_access}
      %add3A_149 = arith.constant 1 : i32
      %add3A_150 = arith.addi %scan3A_67, %add3A_149 : i32
      %lt3A_151 = arith.constant 128 : i32
      %lt3A_152 = arith.cmpi slt, %add3A_150, %lt3A_151 : i32
      %convert_element_type3A_153 = arith.extui %lt3A_152 : i1 to i32
      %cond3A_154 = arith.constant 0 : i32
      %cond3A_155 = arith.cmpi ne, %convert_element_type3A_153, %cond3A_154 : i32
      scf.if %cond3A_155 {
        %add3A_276 = arith.constant 1 : i32
        %add3A_277 = arith.addi %scan3A_67, %add3A_276 : i32
        %mul3A_278 = arith.constant 5 : i32
        %mul3A_279 = arith.muli %add3A_277, %mul3A_278 : i32
        %add3A_280 = arith.constant 2 : i32
        %add3A_281 = arith.addi %mul3A_279, %add3A_280 : i32
        %dma_start3A_282 = arith.constant 2 : i32
        %dma_start3A_283 = arith.constant 0 : i32
        %dma_start3A_284 = arith.constant 0 : i32
        %dma_start3A_285 = tpu.memref_slice %arg6[%dma_start3A_282, %dma_start3A_283, %dma_start3A_284] : memref<5x40x128xf32, #tpu.memory_space<vmem>> -> memref<1x40x128xf32, #tpu.memory_space<vmem>>
        %dma_start3A_286 = tpu.memref_squeeze %dma_start3A_285 : memref<1x40x128xf32, #tpu.memory_space<vmem>> -> memref<40x128xf32, #tpu.memory_space<vmem>>
        %dma_start3A_287 = arith.constant 0 : i32
        %dma_start3A_288 = tpu.memref_slice %arg5[%add3A_281, %dma_start3A_287] : memref<640x40xi32, #tpu.memory_space<vmem>> -> memref<1x40xi32, #tpu.memory_space<vmem>>
        %dma_start3A_289 = tpu.memref_squeeze %dma_start3A_288 : memref<1x40xi32, #tpu.memory_space<vmem>> -> memref<40xi32, #tpu.memory_space<vmem>>
        %dma_start3A_290 = arith.constant 0 : i32
        %dma_start3A_291 = arith.constant 0 : i32
        %dma_start3A_292 = tpu.memref_slice %arg3[%dma_start3A_290, %dma_start3A_291] : memref<100000x128xf32, #tpu.memory_space<hbm>> -> memref<100000x128xf32, #tpu.memory_space<hbm>>
        tpu.enqueue_indirect_dma source(%dma_start3A_292 : memref<100000x128xf32, #tpu.memory_space<hbm>>) target(%dma_start3A_286 : memref<40x128xf32, #tpu.memory_space<vmem>>) offsets(%dma_start3A_289 : memref<40xi32, #tpu.memory_space<vmem>>) semaphore(%arg10 : memref<!tpu.dma_semaphore, #tpu.memory_space<semaphore_mem>>)
      } else {
      }
      %dma_wait3A_156 = arith.constant 3 : i32
      %dma_wait3A_157 = arith.constant 0 : i32
      %dma_wait3A_158 = arith.constant 0 : i32
      %dma_wait3A_159 = tpu.memref_slice %arg6[%dma_wait3A_156, %dma_wait3A_157, %dma_wait3A_158] : memref<5x40x128xf32, #tpu.memory_space<vmem>> -> memref<1x40x128xf32, #tpu.memory_space<vmem>>
      %dma_wait3A_160 = tpu.memref_squeeze %dma_wait3A_159 : memref<1x40x128xf32, #tpu.memory_space<vmem>> -> memref<40x128xf32, #tpu.memory_space<vmem>>
      %dma_wait3A_161 = arith.constant 0 : i32
      %dma_wait3A_162 = arith.constant 0 : i32
      %dma_wait3A_163 = tpu.memref_slice %arg3[%dma_wait3A_161, %dma_wait3A_162] : memref<100000x128xf32, #tpu.memory_space<hbm>> -> memref<40x128xf32, #tpu.memory_space<hbm>>
      %dma_wait3A_164 = arith.constant 0 : i32
      %dma_wait3A_165 = arith.constant 0 : i32
      %dma_wait3A_166 = tpu.memref_slice %arg6[%dma_wait3A_156, %dma_wait3A_164, %dma_wait3A_165] : memref<5x40x128xf32, #tpu.memory_space<vmem>> -> memref<1x40x128xf32, #tpu.memory_space<vmem>>
      %dma_wait3A_167 = tpu.memref_squeeze %dma_wait3A_166 : memref<1x40x128xf32, #tpu.memory_space<vmem>> -> memref<40x128xf32, #tpu.memory_space<vmem>>
      %dma_wait3A_168 = arith.constant 0 : i32
      %dma_wait3A_169 = arith.constant 0 : i32
      %dma_wait3A_170 = tpu.memref_slice %arg3[%dma_wait3A_168, %dma_wait3A_169] : memref<100000x128xf32, #tpu.memory_space<hbm>> -> memref<40x128xf32, #tpu.memory_space<hbm>>
      tpu.wait_dma2 semaphore(%arg11 : memref<!tpu.dma_semaphore, #tpu.memory_space<semaphore_mem>>) src(%dma_wait3A_170 : memref<40x128xf32, #tpu.memory_space<hbm>>) dst(%dma_wait3A_167 : memref<40x128xf32, #tpu.memory_space<vmem>>)
      %parallel_loop3A_171 = arith.constant 0 : i32
      %parallel_loop3A_172 = arith.constant 40 : i32
      %parallel_loop3A_173 = arith.constant 1 : i32
      %parallel_loop3A_174:8 = scf.for %parallel_loop3A_276 = %parallel_loop3A_171 to %parallel_loop3A_172 step %parallel_loop3A_173 iter_args(%parallel_loop3A_277 = %parallel_loop3A_148#0, %parallel_loop3A_278 = %parallel_loop3A_148#1, %parallel_loop3A_279 = %parallel_loop3A_148#2, %parallel_loop3A_280 = %parallel_loop3A_148#3, %parallel_loop3A_281 = %parallel_loop3A_148#4, %parallel_loop3A_282 = %parallel_loop3A_148#5, %parallel_loop3A_283 = %parallel_loop3A_148#6, %parallel_loop3A_284 = %parallel_loop3A_148#7) -> (vector<16xf32>, vector<16xf32>, vector<16xf32>, vector<16xf32>, vector<16xf32>, vector<16xf32>, vector<16xf32>, vector<16xf32>)  : i32 {
        %parallel_loop3A_285 = arith.constant 3 : i32
        %parallel_loop3A_286 = arith.index_cast %parallel_loop3A_285 : i32 to index
        %parallel_loop3A_287 = arith.index_cast %parallel_loop3A_276 : i32 to index
        %parallel_loop3A_288 = arith.constant 0 : index
        %parallel_loop3A_289 = tpu.vector_load %arg6[%parallel_loop3A_286, %parallel_loop3A_287, %parallel_loop3A_288] {strides = array<i32>} : memref<5x40x128xf32, #tpu.memory_space<vmem>>, vector<1x1x16xf32>,
        %parallel_loop3A_290 = vector.shape_cast %parallel_loop3A_289 : vector<1x1x16xf32> to vector<16xf32>
        %parallel_loop3A_291 = arith.addf %parallel_loop3A_277, %parallel_loop3A_290 : vector<16xf32>
        %parallel_loop3A_292 = arith.constant 3 : i32
        %parallel_loop3A_293 = arith.index_cast %parallel_loop3A_292 : i32 to index
        %parallel_loop3A_294 = arith.index_cast %parallel_loop3A_276 : i32 to index
        %parallel_loop3A_295 = arith.constant 16 : index
        %parallel_loop3A_296 = tpu.vector_load %arg6[%parallel_loop3A_293, %parallel_loop3A_294, %parallel_loop3A_295] {strides = array<i32>} : memref<5x40x128xf32, #tpu.memory_space<vmem>>, vector<1x1x16xf32>,
        %parallel_loop3A_297 = vector.shape_cast %parallel_loop3A_296 : vector<1x1x16xf32> to vector<16xf32>
        %parallel_loop3A_298 = arith.addf %parallel_loop3A_278, %parallel_loop3A_297 : vector<16xf32>
        %parallel_loop3A_299 = arith.constant 3 : i32
        %parallel_loop3A_300 = arith.index_cast %parallel_loop3A_299 : i32 to index
        %parallel_loop3A_301 = arith.index_cast %parallel_loop3A_276 : i32 to index
        %parallel_loop3A_302 = arith.constant 32 : index
        %parallel_loop3A_303 = tpu.vector_load %arg6[%parallel_loop3A_300, %parallel_loop3A_301, %parallel_loop3A_302] {strides = array<i32>} : memref<5x40x128xf32, #tpu.memory_space<vmem>>, vector<1x1x16xf32>,
        %parallel_loop3A_304 = vector.shape_cast %parallel_loop3A_303 : vector<1x1x16xf32> to vector<16xf32>
        %parallel_loop3A_305 = arith.addf %parallel_loop3A_279, %parallel_loop3A_304 : vector<16xf32>
        %parallel_loop3A_306 = arith.constant 3 : i32
        %parallel_loop3A_307 = arith.index_cast %parallel_loop3A_306 : i32 to index
        %parallel_loop3A_308 = arith.index_cast %parallel_loop3A_276 : i32 to index
        %parallel_loop3A_309 = arith.constant 48 : index
        %parallel_loop3A_310 = tpu.vector_load %arg6[%parallel_loop3A_307, %parallel_loop3A_308, %parallel_loop3A_309] {strides = array<i32>} : memref<5x40x128xf32, #tpu.memory_space<vmem>>, vector<1x1x16xf32>,
        %parallel_loop3A_311 = vector.shape_cast %parallel_loop3A_310 : vector<1x1x16xf32> to vector<16xf32>
        %parallel_loop3A_312 = arith.addf %parallel_loop3A_280, %parallel_loop3A_311 : vector<16xf32>
        %parallel_loop3A_313 = arith.constant 3 : i32
        %parallel_loop3A_314 = arith.index_cast %parallel_loop3A_313 : i32 to index
        %parallel_loop3A_315 = arith.index_cast %parallel_loop3A_276 : i32 to index
        %parallel_loop3A_316 = arith.constant 64 : index
        %parallel_loop3A_317 = tpu.vector_load %arg6[%parallel_loop3A_314, %parallel_loop3A_315, %parallel_loop3A_316] {strides = array<i32>} : memref<5x40x128xf32, #tpu.memory_space<vmem>>, vector<1x1x16xf32>,
        %parallel_loop3A_318 = vector.shape_cast %parallel_loop3A_317 : vector<1x1x16xf32> to vector<16xf32>
        %parallel_loop3A_319 = arith.addf %parallel_loop3A_281, %parallel_loop3A_318 : vector<16xf32>
        %parallel_loop3A_320 = arith.constant 3 : i32
        %parallel_loop3A_321 = arith.index_cast %parallel_loop3A_320 : i32 to index
        %parallel_loop3A_322 = arith.index_cast %parallel_loop3A_276 : i32 to index
        %parallel_loop3A_323 = arith.constant 80 : index
        %parallel_loop3A_324 = tpu.vector_load %arg6[%parallel_loop3A_321, %parallel_loop3A_322, %parallel_loop3A_323] {strides = array<i32>} : memref<5x40x128xf32, #tpu.memory_space<vmem>>, vector<1x1x16xf32>,
        %parallel_loop3A_325 = vector.shape_cast %parallel_loop3A_324 : vector<1x1x16xf32> to vector<16xf32>
        %parallel_loop3A_326 = arith.addf %parallel_loop3A_282, %parallel_loop3A_325 : vector<16xf32>
        %parallel_loop3A_327 = arith.constant 3 : i32
        %parallel_loop3A_328 = arith.index_cast %parallel_loop3A_327 : i32 to index
        %parallel_loop3A_329 = arith.index_cast %parallel_loop3A_276 : i32 to index
        %parallel_loop3A_330 = arith.constant 96 : index
        %parallel_loop3A_331 = tpu.vector_load %arg6[%parallel_loop3A_328, %parallel_loop3A_329, %parallel_loop3A_330] {strides = array<i32>} : memref<5x40x128xf32, #tpu.memory_space<vmem>>, vector<1x1x16xf32>,
        %parallel_loop3A_332 = vector.shape_cast %parallel_loop3A_331 : vector<1x1x16xf32> to vector<16xf32>
        %parallel_loop3A_333 = arith.addf %parallel_loop3A_283, %parallel_loop3A_332 : vector<16xf32>
        %parallel_loop3A_334 = arith.constant 3 : i32
        %parallel_loop3A_335 = arith.index_cast %parallel_loop3A_334 : i32 to index
        %parallel_loop3A_336 = arith.index_cast %parallel_loop3A_276 : i32 to index
        %parallel_loop3A_337 = arith.constant 112 : index
        %parallel_loop3A_338 = tpu.vector_load %arg6[%parallel_loop3A_335, %parallel_loop3A_336, %parallel_loop3A_337] {strides = array<i32>} : memref<5x40x128xf32, #tpu.memory_space<vmem>>, vector<1x1x16xf32>,
        %parallel_loop3A_339 = vector.shape_cast %parallel_loop3A_338 : vector<1x1x16xf32> to vector<16xf32>
        %parallel_loop3A_340 = arith.addf %parallel_loop3A_284, %parallel_loop3A_339 : vector<16xf32>
        scf.yield %parallel_loop3A_291, %parallel_loop3A_298, %parallel_loop3A_305, %parallel_loop3A_312, %parallel_loop3A_319, %parallel_loop3A_326, %parallel_loop3A_333, %parallel_loop3A_340 : vector<16xf32>, vector<16xf32>, vector<16xf32>, vector<16xf32>, vector<16xf32>, vector<16xf32>, vector<16xf32>, vector<16xf32>
      } {sc.loop_unroll_factor = 8 : i64, sc.parallel_access}
      %add3A_175 = arith.constant 1 : i32
      %add3A_176 = arith.addi %scan3A_67, %add3A_175 : i32
      %lt3A_177 = arith.constant 128 : i32
      %lt3A_178 = arith.cmpi slt, %add3A_176, %lt3A_177 : i32
      %convert_element_type3A_179 = arith.extui %lt3A_178 : i1 to i32
      %cond3A_180 = arith.constant 0 : i32
      %cond3A_181 = arith.cmpi ne, %convert_element_type3A_179, %cond3A_180 : i32
      scf.if %cond3A_181 {
        %add3A_276 = arith.constant 1 : i32
        %add3A_277 = arith.addi %scan3A_67, %add3A_276 : i32
        %mul3A_278 = arith.constant 5 : i32
        %mul3A_279 = arith.muli %add3A_277, %mul3A_278 : i32
        %add3A_280 = arith.constant 3 : i32
        %add3A_281 = arith.addi %mul3A_279, %add3A_280 : i32
        %dma_start3A_282 = arith.constant 3 : i32
        %dma_start3A_283 = arith.constant 0 : i32
        %dma_start3A_284 = arith.constant 0 : i32
        %dma_start3A_285 = tpu.memref_slice %arg6[%dma_start3A_282, %dma_start3A_283, %dma_start3A_284] : memref<5x40x128xf32, #tpu.memory_space<vmem>> -> memref<1x40x128xf32, #tpu.memory_space<vmem>>
        %dma_start3A_286 = tpu.memref_squeeze %dma_start3A_285 : memref<1x40x128xf32, #tpu.memory_space<vmem>> -> memref<40x128xf32, #tpu.memory_space<vmem>>
        %dma_start3A_287 = arith.constant 0 : i32
        %dma_start3A_288 = tpu.memref_slice %arg5[%add3A_281, %dma_start3A_287] : memref<640x40xi32, #tpu.memory_space<vmem>> -> memref<1x40xi32, #tpu.memory_space<vmem>>
        %dma_start3A_289 = tpu.memref_squeeze %dma_start3A_288 : memref<1x40xi32, #tpu.memory_space<vmem>> -> memref<40xi32, #tpu.memory_space<vmem>>
        %dma_start3A_290 = arith.constant 0 : i32
        %dma_start3A_291 = arith.constant 0 : i32
        %dma_start3A_292 = tpu.memref_slice %arg3[%dma_start3A_290, %dma_start3A_291] : memref<100000x128xf32, #tpu.memory_space<hbm>> -> memref<100000x128xf32, #tpu.memory_space<hbm>>
        tpu.enqueue_indirect_dma source(%dma_start3A_292 : memref<100000x128xf32, #tpu.memory_space<hbm>>) target(%dma_start3A_286 : memref<40x128xf32, #tpu.memory_space<vmem>>) offsets(%dma_start3A_289 : memref<40xi32, #tpu.memory_space<vmem>>) semaphore(%arg11 : memref<!tpu.dma_semaphore, #tpu.memory_space<semaphore_mem>>)
      } else {
      }
      %dma_wait3A_182 = arith.constant 4 : i32
      %dma_wait3A_183 = arith.constant 0 : i32
      %dma_wait3A_184 = arith.constant 0 : i32
      %dma_wait3A_185 = tpu.memref_slice %arg6[%dma_wait3A_182, %dma_wait3A_183, %dma_wait3A_184] : memref<5x40x128xf32, #tpu.memory_space<vmem>> -> memref<1x40x128xf32, #tpu.memory_space<vmem>>
      %dma_wait3A_186 = tpu.memref_squeeze %dma_wait3A_185 : memref<1x40x128xf32, #tpu.memory_space<vmem>> -> memref<40x128xf32, #tpu.memory_space<vmem>>
      %dma_wait3A_187 = arith.constant 0 : i32
      %dma_wait3A_188 = arith.constant 0 : i32
      %dma_wait3A_189 = tpu.memref_slice %arg3[%dma_wait3A_187, %dma_wait3A_188] : memref<100000x128xf32, #tpu.memory_space<hbm>> -> memref<40x128xf32, #tpu.memory_space<hbm>>
      %dma_wait3A_190 = arith.constant 0 : i32
      %dma_wait3A_191 = arith.constant 0 : i32
      %dma_wait3A_192 = tpu.memref_slice %arg6[%dma_wait3A_182, %dma_wait3A_190, %dma_wait3A_191] : memref<5x40x128xf32, #tpu.memory_space<vmem>> -> memref<1x40x128xf32, #tpu.memory_space<vmem>>
      %dma_wait3A_193 = tpu.memref_squeeze %dma_wait3A_192 : memref<1x40x128xf32, #tpu.memory_space<vmem>> -> memref<40x128xf32, #tpu.memory_space<vmem>>
      %dma_wait3A_194 = arith.constant 0 : i32
      %dma_wait3A_195 = arith.constant 0 : i32
      %dma_wait3A_196 = tpu.memref_slice %arg3[%dma_wait3A_194, %dma_wait3A_195] : memref<100000x128xf32, #tpu.memory_space<hbm>> -> memref<40x128xf32, #tpu.memory_space<hbm>>
      tpu.wait_dma2 semaphore(%arg12 : memref<!tpu.dma_semaphore, #tpu.memory_space<semaphore_mem>>) src(%dma_wait3A_196 : memref<40x128xf32, #tpu.memory_space<hbm>>) dst(%dma_wait3A_193 : memref<40x128xf32, #tpu.memory_space<vmem>>)
      %parallel_loop3A_197 = arith.constant 0 : i32
      %parallel_loop3A_198 = arith.constant 40 : i32
      %parallel_loop3A_199 = arith.constant 1 : i32
      %parallel_loop3A_200:8 = scf.for %parallel_loop3A_276 = %parallel_loop3A_197 to %parallel_loop3A_198 step %parallel_loop3A_199 iter_args(%parallel_loop3A_277 = %parallel_loop3A_174#0, %parallel_loop3A_278 = %parallel_loop3A_174#1, %parallel_loop3A_279 = %parallel_loop3A_174#2, %parallel_loop3A_280 = %parallel_loop3A_174#3, %parallel_loop3A_281 = %parallel_loop3A_174#4, %parallel_loop3A_282 = %parallel_loop3A_174#5, %parallel_loop3A_283 = %parallel_loop3A_174#6, %parallel_loop3A_284 = %parallel_loop3A_174#7) -> (vector<16xf32>, vector<16xf32>, vector<16xf32>, vector<16xf32>, vector<16xf32>, vector<16xf32>, vector<16xf32>, vector<16xf32>)  : i32 {
        %parallel_loop3A_285 = arith.constant 4 : i32
        %parallel_loop3A_286 = arith.index_cast %parallel_loop3A_285 : i32 to index
        %parallel_loop3A_287 = arith.index_cast %parallel_loop3A_276 : i32 to index
        %parallel_loop3A_288 = arith.constant 0 : index
        %parallel_loop3A_289 = tpu.vector_load %arg6[%parallel_loop3A_286, %parallel_loop3A_287, %parallel_loop3A_288] {strides = array<i32>} : memref<5x40x128xf32, #tpu.memory_space<vmem>>, vector<1x1x16xf32>,
        %parallel_loop3A_290 = vector.shape_cast %parallel_loop3A_289 : vector<1x1x16xf32> to vector<16xf32>
        %parallel_loop3A_291 = arith.addf %parallel_loop3A_277, %parallel_loop3A_290 : vector<16xf32>
        %parallel_loop3A_292 = arith.constant 4 : i32
        %parallel_loop3A_293 = arith.index_cast %parallel_loop3A_292 : i32 to index
        %parallel_loop3A_294 = arith.index_cast %parallel_loop3A_276 : i32 to index
        %parallel_loop3A_295 = arith.constant 16 : index
        %parallel_loop3A_296 = tpu.vector_load %arg6[%parallel_loop3A_293, %parallel_loop3A_294, %parallel_loop3A_295] {strides = array<i32>} : memref<5x40x128xf32, #tpu.memory_space<vmem>>, vector<1x1x16xf32>,
        %parallel_loop3A_297 = vector.shape_cast %parallel_loop3A_296 : vector<1x1x16xf32> to vector<16xf32>
        %parallel_loop3A_298 = arith.addf %parallel_loop3A_278, %parallel_loop3A_297 : vector<16xf32>
        %parallel_loop3A_299 = arith.constant 4 : i32
        %parallel_loop3A_300 = arith.index_cast %parallel_loop3A_299 : i32 to index
        %parallel_loop3A_301 = arith.index_cast %parallel_loop3A_276 : i32 to index
        %parallel_loop3A_302 = arith.constant 32 : index
        %parallel_loop3A_303 = tpu.vector_load %arg6[%parallel_loop3A_300, %parallel_loop3A_301, %parallel_loop3A_302] {strides = array<i32>} : memref<5x40x128xf32, #tpu.memory_space<vmem>>, vector<1x1x16xf32>,
        %parallel_loop3A_304 = vector.shape_cast %parallel_loop3A_303 : vector<1x1x16xf32> to vector<16xf32>
        %parallel_loop3A_305 = arith.addf %parallel_loop3A_279, %parallel_loop3A_304 : vector<16xf32>
        %parallel_loop3A_306 = arith.constant 4 : i32
        %parallel_loop3A_307 = arith.index_cast %parallel_loop3A_306 : i32 to index
        %parallel_loop3A_308 = arith.index_cast %parallel_loop3A_276 : i32 to index
        %parallel_loop3A_309 = arith.constant 48 : index
        %parallel_loop3A_310 = tpu.vector_load %arg6[%parallel_loop3A_307, %parallel_loop3A_308, %parallel_loop3A_309] {strides = array<i32>} : memref<5x40x128xf32, #tpu.memory_space<vmem>>, vector<1x1x16xf32>,
        %parallel_loop3A_311 = vector.shape_cast %parallel_loop3A_310 : vector<1x1x16xf32> to vector<16xf32>
        %parallel_loop3A_312 = arith.addf %parallel_loop3A_280, %parallel_loop3A_311 : vector<16xf32>
        %parallel_loop3A_313 = arith.constant 4 : i32
        %parallel_loop3A_314 = arith.index_cast %parallel_loop3A_313 : i32 to index
        %parallel_loop3A_315 = arith.index_cast %parallel_loop3A_276 : i32 to index
        %parallel_loop3A_316 = arith.constant 64 : index
        %parallel_loop3A_317 = tpu.vector_load %arg6[%parallel_loop3A_314, %parallel_loop3A_315, %parallel_loop3A_316] {strides = array<i32>} : memref<5x40x128xf32, #tpu.memory_space<vmem>>, vector<1x1x16xf32>,
        %parallel_loop3A_318 = vector.shape_cast %parallel_loop3A_317 : vector<1x1x16xf32> to vector<16xf32>
        %parallel_loop3A_319 = arith.addf %parallel_loop3A_281, %parallel_loop3A_318 : vector<16xf32>
        %parallel_loop3A_320 = arith.constant 4 : i32
        %parallel_loop3A_321 = arith.index_cast %parallel_loop3A_320 : i32 to index
        %parallel_loop3A_322 = arith.index_cast %parallel_loop3A_276 : i32 to index
        %parallel_loop3A_323 = arith.constant 80 : index
        %parallel_loop3A_324 = tpu.vector_load %arg6[%parallel_loop3A_321, %parallel_loop3A_322, %parallel_loop3A_323] {strides = array<i32>} : memref<5x40x128xf32, #tpu.memory_space<vmem>>, vector<1x1x16xf32>,
        %parallel_loop3A_325 = vector.shape_cast %parallel_loop3A_324 : vector<1x1x16xf32> to vector<16xf32>
        %parallel_loop3A_326 = arith.addf %parallel_loop3A_282, %parallel_loop3A_325 : vector<16xf32>
        %parallel_loop3A_327 = arith.constant 4 : i32
        %parallel_loop3A_328 = arith.index_cast %parallel_loop3A_327 : i32 to index
        %parallel_loop3A_329 = arith.index_cast %parallel_loop3A_276 : i32 to index
        %parallel_loop3A_330 = arith.constant 96 : index
        %parallel_loop3A_331 = tpu.vector_load %arg6[%parallel_loop3A_328, %parallel_loop3A_329, %parallel_loop3A_330] {strides = array<i32>} : memref<5x40x128xf32, #tpu.memory_space<vmem>>, vector<1x1x16xf32>,
        %parallel_loop3A_332 = vector.shape_cast %parallel_loop3A_331 : vector<1x1x16xf32> to vector<16xf32>
        %parallel_loop3A_333 = arith.addf %parallel_loop3A_283, %parallel_loop3A_332 : vector<16xf32>
        %parallel_loop3A_334 = arith.constant 4 : i32
        %parallel_loop3A_335 = arith.index_cast %parallel_loop3A_334 : i32 to index
        %parallel_loop3A_336 = arith.index_cast %parallel_loop3A_276 : i32 to index
        %parallel_loop3A_337 = arith.constant 112 : index
        %parallel_loop3A_338 = tpu.vector_load %arg6[%parallel_loop3A_335, %parallel_loop3A_336, %parallel_loop3A_337] {strides = array<i32>} : memref<5x40x128xf32, #tpu.memory_space<vmem>>, vector<1x1x16xf32>,
        %parallel_loop3A_339 = vector.shape_cast %parallel_loop3A_338 : vector<1x1x16xf32> to vector<16xf32>
        %parallel_loop3A_340 = arith.addf %parallel_loop3A_284, %parallel_loop3A_339 : vector<16xf32>
        scf.yield %parallel_loop3A_291, %parallel_loop3A_298, %parallel_loop3A_305, %parallel_loop3A_312, %parallel_loop3A_319, %parallel_loop3A_326, %parallel_loop3A_333, %parallel_loop3A_340 : vector<16xf32>, vector<16xf32>, vector<16xf32>, vector<16xf32>, vector<16xf32>, vector<16xf32>, vector<16xf32>, vector<16xf32>
      } {sc.loop_unroll_factor = 8 : i64, sc.parallel_access}
      %add3A_201 = arith.constant 1 : i32
      %add3A_202 = arith.addi %scan3A_67, %add3A_201 : i32
      %lt3A_203 = arith.constant 128 : i32
      %lt3A_204 = arith.cmpi slt, %add3A_202, %lt3A_203 : i32
      %convert_element_type3A_205 = arith.extui %lt3A_204 : i1 to i32
      %cond3A_206 = arith.constant 0 : i32
      %cond3A_207 = arith.cmpi ne, %convert_element_type3A_205, %cond3A_206 : i32
      scf.if %cond3A_207 {
        %add3A_276 = arith.constant 1 : i32
        %add3A_277 = arith.addi %scan3A_67, %add3A_276 : i32
        %mul3A_278 = arith.constant 5 : i32
        %mul3A_279 = arith.muli %add3A_277, %mul3A_278 : i32
        %add3A_280 = arith.constant 4 : i32
        %add3A_281 = arith.addi %mul3A_279, %add3A_280 : i32
        %dma_start3A_282 = arith.constant 4 : i32
        %dma_start3A_283 = arith.constant 0 : i32
        %dma_start3A_284 = arith.constant 0 : i32
        %dma_start3A_285 = tpu.memref_slice %arg6[%dma_start3A_282, %dma_start3A_283, %dma_start3A_284] : memref<5x40x128xf32, #tpu.memory_space<vmem>> -> memref<1x40x128xf32, #tpu.memory_space<vmem>>
        %dma_start3A_286 = tpu.memref_squeeze %dma_start3A_285 : memref<1x40x128xf32, #tpu.memory_space<vmem>> -> memref<40x128xf32, #tpu.memory_space<vmem>>
        %dma_start3A_287 = arith.constant 0 : i32
        %dma_start3A_288 = tpu.memref_slice %arg5[%add3A_281, %dma_start3A_287] : memref<640x40xi32, #tpu.memory_space<vmem>> -> memref<1x40xi32, #tpu.memory_space<vmem>>
        %dma_start3A_289 = tpu.memref_squeeze %dma_start3A_288 : memref<1x40xi32, #tpu.memory_space<vmem>> -> memref<40xi32, #tpu.memory_space<vmem>>
        %dma_start3A_290 = arith.constant 0 : i32
        %dma_start3A_291 = arith.constant 0 : i32
        %dma_start3A_292 = tpu.memref_slice %arg3[%dma_start3A_290, %dma_start3A_291] : memref<100000x128xf32, #tpu.memory_space<hbm>> -> memref<100000x128xf32, #tpu.memory_space<hbm>>
        tpu.enqueue_indirect_dma source(%dma_start3A_292 : memref<100000x128xf32, #tpu.memory_space<hbm>>) target(%dma_start3A_286 : memref<40x128xf32, #tpu.memory_space<vmem>>) offsets(%dma_start3A_289 : memref<40xi32, #tpu.memory_space<vmem>>) semaphore(%arg12 : memref<!tpu.dma_semaphore, #tpu.memory_space<semaphore_mem>>)
      } else {
      }
      %rem3A = arith.constant 32 : i32
      %rem3A_208 = arith.remsi %scan3A_67, %rem3A : i32
      %mul3A_209 = arith.constant 5.000000e-03 : f32
      %mul3A_210 = vector.broadcast %mul3A_209 : f32 to vector<16xf32>
      %mul3A_211 = arith.mulf %parallel_loop3A_200#0, %mul3A_210 : vector<16xf32>
      %swap3A = arith.index_cast %rem3A_208 : i32 to index
      %swap3A_212 = arith.constant 0 : index
      %swap3A_213 = tpu.vector_load %arg7[%swap3A, %swap3A_212] {strides = array<i32>} : memref<32x128xf32, #tpu.memory_space<vmem>>, vector<1x16xf32>,
      %swap3A_214 = vector.shape_cast %swap3A_213 : vector<1x16xf32> to vector<16xf32>
      %swap3A_215 = vector.shape_cast %mul3A_211 : vector<16xf32> to vector<1x16xf32>
      tpu.vector_store %arg7[%swap3A, %swap3A_212], %swap3A_215 {strides = array<i32>} : memref<32x128xf32, #tpu.memory_space<vmem>>, vector<1x16xf32>,
      %mul3A_216 = arith.constant 5.000000e-03 : f32
      %mul3A_217 = vector.broadcast %mul3A_216 : f32 to vector<16xf32>
      %mul3A_218 = arith.mulf %parallel_loop3A_200#1, %mul3A_217 : vector<16xf32>
      %swap3A_219 = arith.index_cast %rem3A_208 : i32 to index
      %swap3A_220 = arith.constant 16 : index
      %swap3A_221 = tpu.vector_load %arg7[%swap3A_219, %swap3A_220] {strides = array<i32>} : memref<32x128xf32, #tpu.memory_space<vmem>>, vector<1x16xf32>,
      %swap3A_222 = vector.shape_cast %swap3A_221 : vector<1x16xf32> to vector<16xf32>
      %swap3A_223 = vector.shape_cast %mul3A_218 : vector<16xf32> to vector<1x16xf32>
      tpu.vector_store %arg7[%swap3A_219, %swap3A_220], %swap3A_223 {strides = array<i32>} : memref<32x128xf32, #tpu.memory_space<vmem>>, vector<1x16xf32>,
      %mul3A_224 = arith.constant 5.000000e-03 : f32
      %mul3A_225 = vector.broadcast %mul3A_224 : f32 to vector<16xf32>
      %mul3A_226 = arith.mulf %parallel_loop3A_200#2, %mul3A_225 : vector<16xf32>
      %swap3A_227 = arith.index_cast %rem3A_208 : i32 to index
      %swap3A_228 = arith.constant 32 : index
      %swap3A_229 = tpu.vector_load %arg7[%swap3A_227, %swap3A_228] {strides = array<i32>} : memref<32x128xf32, #tpu.memory_space<vmem>>, vector<1x16xf32>,
      %swap3A_230 = vector.shape_cast %swap3A_229 : vector<1x16xf32> to vector<16xf32>
      %swap3A_231 = vector.shape_cast %mul3A_226 : vector<16xf32> to vector<1x16xf32>
      tpu.vector_store %arg7[%swap3A_227, %swap3A_228], %swap3A_231 {strides = array<i32>} : memref<32x128xf32, #tpu.memory_space<vmem>>, vector<1x16xf32>,
      %mul3A_232 = arith.constant 5.000000e-03 : f32
      %mul3A_233 = vector.broadcast %mul3A_232 : f32 to vector<16xf32>
      %mul3A_234 = arith.mulf %parallel_loop3A_200#3, %mul3A_233 : vector<16xf32>
      %swap3A_235 = arith.index_cast %rem3A_208 : i32 to index
      %swap3A_236 = arith.constant 48 : index
      %swap3A_237 = tpu.vector_load %arg7[%swap3A_235, %swap3A_236] {strides = array<i32>} : memref<32x128xf32, #tpu.memory_space<vmem>>, vector<1x16xf32>,
      %swap3A_238 = vector.shape_cast %swap3A_237 : vector<1x16xf32> to vector<16xf32>
      %swap3A_239 = vector.shape_cast %mul3A_234 : vector<16xf32> to vector<1x16xf32>
      tpu.vector_store %arg7[%swap3A_235, %swap3A_236], %swap3A_239 {strides = array<i32>} : memref<32x128xf32, #tpu.memory_space<vmem>>, vector<1x16xf32>,
      %mul3A_240 = arith.constant 5.000000e-03 : f32
      %mul3A_241 = vector.broadcast %mul3A_240 : f32 to vector<16xf32>
      %mul3A_242 = arith.mulf %parallel_loop3A_200#4, %mul3A_241 : vector<16xf32>
      %swap3A_243 = arith.index_cast %rem3A_208 : i32 to index
      %swap3A_244 = arith.constant 64 : index
      %swap3A_245 = tpu.vector_load %arg7[%swap3A_243, %swap3A_244] {strides = array<i32>} : memref<32x128xf32, #tpu.memory_space<vmem>>, vector<1x16xf32>,
      %swap3A_246 = vector.shape_cast %swap3A_245 : vector<1x16xf32> to vector<16xf32>
      %swap3A_247 = vector.shape_cast %mul3A_242 : vector<16xf32> to vector<1x16xf32>
      tpu.vector_store %arg7[%swap3A_243, %swap3A_244], %swap3A_247 {strides = array<i32>} : memref<32x128xf32, #tpu.memory_space<vmem>>, vector<1x16xf32>,
      %mul3A_248 = arith.constant 5.000000e-03 : f32
      %mul3A_249 = vector.broadcast %mul3A_248 : f32 to vector<16xf32>
      %mul3A_250 = arith.mulf %parallel_loop3A_200#5, %mul3A_249 : vector<16xf32>
      %swap3A_251 = arith.index_cast %rem3A_208 : i32 to index
      %swap3A_252 = arith.constant 80 : index
      %swap3A_253 = tpu.vector_load %arg7[%swap3A_251, %swap3A_252] {strides = array<i32>} : memref<32x128xf32, #tpu.memory_space<vmem>>, vector<1x16xf32>,
      %swap3A_254 = vector.shape_cast %swap3A_253 : vector<1x16xf32> to vector<16xf32>
      %swap3A_255 = vector.shape_cast %mul3A_250 : vector<16xf32> to vector<1x16xf32>
      tpu.vector_store %arg7[%swap3A_251, %swap3A_252], %swap3A_255 {strides = array<i32>} : memref<32x128xf32, #tpu.memory_space<vmem>>, vector<1x16xf32>,
      %mul3A_256 = arith.constant 5.000000e-03 : f32
      %mul3A_257 = vector.broadcast %mul3A_256 : f32 to vector<16xf32>
      %mul3A_258 = arith.mulf %parallel_loop3A_200#6, %mul3A_257 : vector<16xf32>
      %swap3A_259 = arith.index_cast %rem3A_208 : i32 to index
      %swap3A_260 = arith.constant 96 : index
      %swap3A_261 = tpu.vector_load %arg7[%swap3A_259, %swap3A_260] {strides = array<i32>} : memref<32x128xf32, #tpu.memory_space<vmem>>, vector<1x16xf32>,
      %swap3A_262 = vector.shape_cast %swap3A_261 : vector<1x16xf32> to vector<16xf32>
      %swap3A_263 = vector.shape_cast %mul3A_258 : vector<16xf32> to vector<1x16xf32>
      tpu.vector_store %arg7[%swap3A_259, %swap3A_260], %swap3A_263 {strides = array<i32>} : memref<32x128xf32, #tpu.memory_space<vmem>>, vector<1x16xf32>,
      %mul3A_264 = arith.constant 5.000000e-03 : f32
      %mul3A_265 = vector.broadcast %mul3A_264 : f32 to vector<16xf32>
      %mul3A_266 = arith.mulf %parallel_loop3A_200#7, %mul3A_265 : vector<16xf32>
      %swap3A_267 = arith.index_cast %rem3A_208 : i32 to index
      %swap3A_268 = arith.constant 112 : index
      %swap3A_269 = tpu.vector_load %arg7[%swap3A_267, %swap3A_268] {strides = array<i32>} : memref<32x128xf32, #tpu.memory_space<vmem>>, vector<1x16xf32>,
      %swap3A_270 = vector.shape_cast %swap3A_269 : vector<1x16xf32> to vector<16xf32>
      %swap3A_271 = vector.shape_cast %mul3A_266 : vector<16xf32> to vector<1x16xf32>
      tpu.vector_store %arg7[%swap3A_267, %swap3A_268], %swap3A_271 {strides = array<i32>} : memref<32x128xf32, #tpu.memory_space<vmem>>, vector<1x16xf32>,
      %eq3A = arith.constant 31 : i32
      %eq3A_272 = arith.cmpi eq, %rem3A_208, %eq3A : i32
      %convert_element_type3A_273 = arith.extui %eq3A_272 : i1 to i32
      %cond3A_274 = arith.constant 0 : i32
      %cond3A_275 = arith.cmpi ne, %convert_element_type3A_273, %cond3A_274 : i32
      scf.if %cond3A_275 {
        %jit3A = arith.constant 32 : i32
        %div3A = arith.divsi %scan3A_67, %jit3A : i32
        %sign3A = arith.constant 0 : i32
        %sign3A_276 = arith.cmpi sgt, %scan3A_67, %sign3A : i32
        %sign3A_277 = arith.extui %sign3A_276 : i1 to i32
        %sign3A_278 = arith.constant 0 : i32
        %sign3A_279 = arith.cmpi slt, %scan3A_67, %sign3A_278 : i32
        %sign3A_280 = arith.extui %sign3A_279 : i1 to i32
        %sign3A_281 = arith.subi %sign3A_277, %sign3A_280 : i32
        %sign3A_282 = arith.constant 0 : i32
        %sign3A_283 = arith.cmpi sgt, %jit3A, %sign3A_282 : i32
        %sign3A_284 = arith.extui %sign3A_283 : i1 to i32
        %sign3A_285 = arith.constant 0 : i32
        %sign3A_286 = arith.cmpi slt, %jit3A, %sign3A_285 : i32
        %sign3A_287 = arith.extui %sign3A_286 : i1 to i32
        %sign3A_288 = arith.subi %sign3A_284, %sign3A_287 : i32
        %ne3A = arith.cmpi ne, %sign3A_281, %sign3A_288 : i32
        %rem3A_289 = arith.remsi %scan3A_67, %jit3A : i32
        %ne3A_290 = arith.constant 0 : i32
        %ne3A_291 = arith.cmpi ne, %rem3A_289, %ne3A_290 : i32
        %and3A = arith.andi %ne3A, %ne3A_291 : i1
        %sub3A = arith.constant 1 : i32
        %sub3A_292 = arith.subi %div3A, %sub3A : i32
        %select_n3A = arith.select %and3A, %sub3A_292, %div3A : i32
        %mul3A_293 = arith.constant 128 : i32
        %mul3A_294 = arith.muli %add3A, %mul3A_293 : i32
        %mul3A_295 = arith.constant 32 : i32
        %mul3A_296 = arith.muli %select_n3A, %mul3A_295 : i32
        %add3A_297 = arith.addi %mul3A_294, %mul3A_296 : i32
        "tpu.region"() ({
          %run_scoped3A = tpu.sem_alloc : memref<!tpu.dma_semaphore, #tpu.memory_space<semaphore_mem>>
          %dma_start3A_298 = arith.constant 0 : i32
          %dma_start3A_299 = tpu.memref_slice %arg4[%add3A_297, %dma_start3A_298] : memref<4096x128xf32, #tpu.memory_space<hbm>> -> memref<32x128xf32, #tpu.memory_space<hbm>>
          %dma_start3A_300 = arith.constant 0 : i32
          %dma_start3A_301 = tpu.memref_slice %arg4[%add3A_297, %dma_start3A_300] : memref<4096x128xf32, #tpu.memory_space<hbm>> -> memref<32x128xf32, #tpu.memory_space<hbm>>
          tpu.enqueue_dma source(%arg7 : memref<32x128xf32, #tpu.memory_space<vmem>>) target(%dma_start3A_301 : memref<32x128xf32, #tpu.memory_space<hbm>>) target_semaphore(%run_scoped3A : memref<!tpu.dma_semaphore, #tpu.memory_space<semaphore_mem>>)
          %dma_wait3A_302 = arith.constant 0 : i32
          %dma_wait3A_303 = tpu.memref_slice %arg4[%add3A_297, %dma_wait3A_302] : memref<4096x128xf32, #tpu.memory_space<hbm>> -> memref<32x128xf32, #tpu.memory_space<hbm>>
          %dma_wait3A_304 = arith.constant 0 : i32
          %dma_wait3A_305 = tpu.memref_slice %arg4[%add3A_297, %dma_wait3A_304] : memref<4096x128xf32, #tpu.memory_space<hbm>> -> memref<32x128xf32, #tpu.memory_space<hbm>>
          tpu.wait_dma2 semaphore(%run_scoped3A : memref<!tpu.dma_semaphore, #tpu.memory_space<semaphore_mem>>) src(%arg7 : memref<32x128xf32, #tpu.memory_space<vmem>>) dst(%dma_wait3A_305 : memref<32x128xf32, #tpu.memory_space<hbm>>)
          tpu.yield
        }) : () -> ()
      } else {
      }
    }
    %scan3A_66 = arith.constant 128 : i32
    return
  }
}

module attributes {stable_mosaic.version = 14 : i64} {
  func.func @body(%arg0: i32, %arg1: memref<512x128xf32, #tpu.memory_space<vmem>>, %arg2: memref<128x1000xf32, #tpu.memory_space<vmem>>, %arg3: memref<1x1000xf32, #tpu.memory_space<vmem>>, %arg4: memref<512x1000xf32, #tpu.memory_space<vmem>>) attributes {dimension_semantics = [#tpu.dimension_semantics<arbitrary>], iteration_bounds = array<i64: 8>, scalar_prefetch = 0 : i64, scratch_operands = 0 : i64, tpu.core_type = #tpu.core_type<tc>, window_params = [{transform_indices = @transform_0, window_bounds = array<i64: 512, 128>}, {pipeline_mode = #tpu.pipeline_mode<synchronous>, transform_indices = @transform_1, window_bounds = array<i64: 128, 1000>}, {pipeline_mode = #tpu.pipeline_mode<synchronous>, transform_indices = @transform_2, window_bounds = array<i64: 1, 1000>}, {transform_indices = @transform_3, window_bounds = array<i64: 512, 1000>}]} {
    %get3A = arith.constant 0 : index
    %get3A_0 = arith.constant 0 : index
    %get3A_1 = vector.load %arg1[%get3A, %get3A_0] : memref<512x128xf32, #tpu.memory_space<vmem>>, vector<512x128xf32>
    %get3A_2 = arith.constant 0 : index
    %get3A_3 = arith.constant 0 : index
    %get3A_4 = vector.load %arg2[%get3A_2, %get3A_3] : memref<128x1000xf32, #tpu.memory_space<vmem>>, vector<128x1000xf32>
    %dot_general3A = arith.constant dense<0.000000e+00> : vector<512x1000xf32>
    %dot_general3A_5 = tpu.matmul %get3A_1, %get3A_4, %dot_general3A {dimension_numbers = #tpu.dot_dimension_numbers<[1], [0], [0], [1], [0, 0, 1, 1], [], []>, transpose_lhs_hint = false} : vector<512x128xf32>, vector<128x1000xf32>, vector<512x1000xf32> -> vector<512x1000xf32>
    %get3A_6 = arith.constant 0 : index
    %get3A_7 = arith.constant 0 : index
    %get3A_8 = vector.load %arg3[%get3A_6, %get3A_7] : memref<1x1000xf32, #tpu.memory_space<vmem>>, vector<1x1000xf32>
    %add3A = vector.broadcast %get3A_8 : vector<1x1000xf32> to vector<512x1000xf32>
    %add3A_9 = arith.addf %dot_general3A_5, %add3A : vector<512x1000xf32>
    %swap3A = arith.constant 0 : index
    %swap3A_10 = arith.constant 0 : index
    %swap3A_11 = vector.load %arg4[%swap3A, %swap3A_10] : memref<512x1000xf32, #tpu.memory_space<vmem>>, vector<512x1000xf32>
    tpu.vector_store %arg4[%swap3A, %swap3A_10], %add3A_9 {strides = array<i32>} : memref<512x1000xf32, #tpu.memory_space<vmem>>, vector<512x1000xf32>,
    return
  }
  func.func @transform_0(%arg0: i32) -> (i32, i32) {
    %c0_i32 = arith.constant 0 : i32
    %c0_i32_0 = arith.constant 0 : i32
    return %arg0, %c0_i32 : i32, i32
  }
  func.func @transform_1(%arg0: i32) -> (i32, i32) {
    %c0_i32 = arith.constant 0 : i32
    %c0_i32_0 = arith.constant 0 : i32
    %c0_i32_1 = arith.constant 0 : i32
    return %c0_i32, %c0_i32_0 : i32, i32
  }
  func.func @transform_2(%arg0: i32) -> (i32, i32) {
    %c0_i32 = arith.constant 0 : i32
    %c0_i32_0 = arith.constant 0 : i32
    %c0_i32_1 = arith.constant 0 : i32
    return %c0_i32, %c0_i32_0 : i32, i32
  }
  func.func @transform_3(%arg0: i32) -> (i32, i32) {
    %c0_i32 = arith.constant 0 : i32
    %c0_i32_0 = arith.constant 0 : i32
    return %arg0, %c0_i32 : i32, i32
  }
}

</mosaic_0001>

<sc_bundles>
// kernel: kernel.4.cloned.1.call-start
scs
__scs_entry_jumppad:
0x0: {  	(pc) =	sbr.rel $0x88, $3  }
0x1: {  	(tag) =	ssettag $0x0;
	lr =	simm.s32 $0x1  }
0x2: {  	[smem:$0x3F9D] =	sst lr;
	_ =	strace $0xD0000000  }
0x3: {  	_ = 	snop  }
0x4: {  	_ = 	snop  }
0x5: {  	_ = 	snop  }
0x6: {  	_ = 	snop  }
0x7: {  	_ = 	snop  }
__scs_overlays_trampoline_lowered:
0x8: {  	[smem:$0x3FAC] =	sst s0  }
0x9: {  	[smem:$0x3FAD] =	sst s1  }
0xa: {  	[smem:$0x3FAE] =	sst s2  }
0xb: {  	[smem:$0x3FAF] =	sst s3  }
0xc: {  	[smem:$0x3FB0] =	sst s4  }
0xd: {  	[smem:$0x3FB1] =	sst s5  }
0xe: {  	[smem:$0x3FB2] =	sst s6  }
0xf: {  	[smem:$0x3FB3] =	sst s7  }
0x10: {  	[smem:$0x3FB4] =	sst s8  }
0x11: {  	[smem:$0x3FB5] =	sst s9;
	s0 =	simm.s32 @!p0 $0x0  }
0x12: {  	s1 =	sld [smem:$0x3F9B];
	s0 =	simm.s32 @p0 $0x1  }
0x13: {  	[smem:$0x3FB6] =	sst s0;
	s0 =	simm.s32 @!p1 $0x0  }
0x14: {  	s2 =	sld [smem:$0x3F9A];
	s0 =	simm.s32 @p1 $0x1  }
0x15: {  	[smem:$0x3FB7] =	sst s0;
	s0 =	simm.s32 @!p2 $0x0  }
0x16: {  	s3 =	sld [smem:$0x3FDB];
	s0 =	simm.s32 @p2 $0x1  }
0x17: {  	s4 =	simm.s32 $0x1BF5;
	[smem:$0x3FB9] =	sst s0  }
0x18: {  	s0 =	sld [smem:$0x3F9C];
	_ =	swait.ge [sflag:s4], $0x0  }
0x19: {  	s7 =	sld [smem:$0x3F9D]  }
0x1a: {  	s8 =	sadd.s32 $0xFFFFE003, lr  }
0x1b: {  	s9 =	sadd.s32 $0xFFFFFEF7, lr;
	s5 =	simm.s32 $0xFFFFFFFF;
	p2 =	slt.u32 s8, $0xFFFFF086  }
0x1c: {  	p1 =	slt.u32 s9, $0xF7A;
	s5 =	simm.s32 @!p2 $0x0  }
0x1d: {  	s5 =	simm.s32 @p1 $0x1;
	p0 =	seq.s32 s7, s2  }
0x1e: {  	s7 =	smul.u32 @!p0 $0xF7A, s2;
	p2 =	seq.s32 @!p0 s5, $0x0  }
0x1f: {  	s9 =	smul.u32 $0xF7A, s1;
	s8 =	simm.s32 @!p0 $0x1BF5;
	p2 =	por !p2, p0  }
0x20: {  	[sflag:s8] =	ssyncset.s32 @!p0 $0xFFFFF086;
	s6 =	sadd.s32 @!p0 s3, s7;
	s7 =	simm.s32 @!p0 $0x108  }
0x21: {  	s3 =	sadd.s32 s3, s9;
	s6 =	sadd.s32 @!p0 $0x88, s6;
	s7 =	simm.s32 @p2 $0x1082  }
0x22: {  	[simem:s7], [sflag:s8] =	dma.local @!p0 [hbm:s6], $0xF7A  }
0x23: {  	s9 =	sor.u32 $0xD0000000, s2;
	s6 =	simm.s32 $0x108;
	_ =	swait.ge @!p0 [sflag:s8], $0x0  }
0x24: {  	s3 =	sadd.s32 $0x88, s3;
	s6 =	simm.s32 @!p1 $0x1082;
	[sflag:s4] =	ssyncset.s32 $0xFFFFF086  }
0x25: {  	[simem:s6], [sflag:s4] =	dma.local [hbm:s3], $0xF7A  }
0x26: {  	[smem:$0x3F9D] =	sst s1;
	(tag) =	ssettag s2;
	_ =	strace s9  }
0x27: {  	s1 =	sld [smem:$0x3FAD]  }
0x28: {  	s2 =	sld [smem:$0x3FAE]  }
0x29: {  	s4 =	sld [smem:$0x3FB0]  }
0x2a: {  	p0 =	seq.s32 s5, $0x0;
	s5 =	sld [smem:$0x3FB1]  }
0x2b: {  	s6 =	sld [smem:$0x3FB2]  }
0x2c: {  	s7 =	sld [smem:$0x3FB3]  }
0x2d: {  	s3 =	simm.s32 $0x108;
	s8 =	sld [smem:$0x3FB4]  }
0x2e: {  	s3 =	simm.s32 @!p0 $0x1082;
	s9 =	sld [smem:$0x3FB5]  }
0x2f: {  	lr =	sadd.s32 s0, s3;
	s0 =	sld [smem:$0x3FAC]  }
0x30: {  	s3 =	sld [smem:$0x3FAF]  }
0x31: {  	[smem:$0x3FB8] =	sst s10  }
0x32: {  	s10 =	sld [smem:$0x3FB6];
	_ =	sdelay $0x3  }
0x33: {  	p0 =	seq.s32 s10, $0x1;
	s10 =	sld [smem:$0x3FB8];
	_ =	sdelay $0x3  }
0x34: {  	[smem:$0x3FB8] =	sst s10  }
0x35: {  	s10 =	sld [smem:$0x3FB7];
	_ =	sdelay $0x3  }
0x36: {  	p1 =	seq.s32 s10, $0x1;
	s10 =	sld [smem:$0x3FB8];
	_ =	sdelay $0x3  }
0x37: {  	[smem:$0x3FB8] =	sst s10  }
0x38: {  	s10 =	sld [smem:$0x3FB9]  }
0x39: {  	_ = 	snop;
	(pc) =	sbr.ind lr, $3  }
0x3a: {  	_ = 	snop  }
0x3b: {  	_ = 	snop  }
0x3c: {  	p2 =	seq.s32 s10, $0x1;
	s10 =	sld [smem:$0x3FB8]  }
0x3d: {  	_ =	shalt  }
0x3e: {  	_ =	shalt  }
0x3f: {  	_ =	shalt  }
0x40: {  	_ =	shalt  }
0x41: {  	_ =	shalt  }
0x42: {  	_ =	shalt  }
0x43: {  	_ =	shalt  }
0x44: {  	_ =	shalt  }
0x45: {  	_ =	shalt  }
0x46: {  	_ =	shalt  }
0x47: {  	_ =	shalt  }
0x48: {  	_ =	shalt  }
0x49: {  	_ =	shalt  }
0x4a: {  	_ =	shalt  }
0x4b: {  	_ =	shalt  }
0x4c: {  	_ =	shalt  }
0x4d: {  	_ =	shalt  }
0x4e: {  	_ =	shalt  }
0x4f: {  	_ =	shalt  }
0x50: {  	_ =	shalt  }
0x51: {  	_ =	shalt  }
0x52: {  	_ =	shalt  }
0x53: {  	_ =	shalt  }
0x54: {  	_ =	shalt  }
0x55: {  	_ =	shalt  }
0x56: {  	_ =	shalt  }
0x57: {  	_ =	shalt  }
0x58: {  	_ =	shalt  }
0x59: {  	_ =	shalt  }
0x5a: {  	_ =	shalt  }
0x5b: {  	_ =	shalt  }
0x5c: {  	_ =	shalt  }
0x5d: {  	_ =	shalt  }
0x5e: {  	_ =	shalt  }
0x5f: {  	_ =	shalt  }
0x60: {  	_ =	shalt  }
0x61: {  	_ =	shalt  }
0x62: {  	_ =	shalt  }
0x63: {  	_ =	shalt  }
0x64: {  	_ =	shalt  }
0x65: {  	_ =	shalt  }
0x66: {  	_ =	shalt  }
0x67: {  	_ =	shalt  }
0x68: {  	_ =	shalt  }
0x69: {  	_ =	shalt  }
0x6a: {  	_ =	shalt  }
0x6b: {  	_ =	shalt  }
0x6c: {  	_ =	shalt  }
0x6d: {  	_ =	shalt  }
0x6e: {  	_ =	shalt  }
0x6f: {  	_ =	shalt  }
0x70: {  	_ =	shalt  }
0x71: {  	_ =	shalt  }
0x72: {  	_ =	shalt  }
0x73: {  	_ =	shalt  }
0x74: {  	_ =	shalt  }
0x75: {  	_ =	shalt  }
0x76: {  	_ =	shalt  }
0x77: {  	_ =	shalt  }
0x78: {  	_ =	shalt  }
0x79: {  	_ =	shalt  }
0x7a: {  	_ =	shalt  }
0x7b: {  	_ =	shalt  }
0x7c: {  	_ =	shalt  }
0x7d: {  	_ =	shalt  }
0x7e: {  	_ =	shalt  }
0x7f: {  	_ =	shalt  }
0x80: {  	_ =	shalt  }
0x81: {  	_ =	shalt  }
0x82: {  	_ =	shalt  }
0x83: {  	_ =	shalt  }
0x84: {  	_ =	shalt  }
0x85: {  	_ =	shalt  }
0x86: {  	_ =	shalt  }
0x87: {  	_ =	shalt  }
.Lfunc_end0:
.L_simem_size_0:
called_computation_lowered:
.L_overlay_start_0:
0x88: {  	s2 =	sld [smem:$0x3FD9]  }
0x89: {  	s3 =	sld [smem:$0x3FFE];
	_ =	sdelay $0x1  }
0x8a: {  	s1 =	srdreg.scid  }
0x8b: {  	s0 =	sand.u32 $0x1, s1  }
0x8c: {  	s17 =	sshll.u32 s0, $0xA;
	s2 =	sadd.s32 s3, s2  }
0x8d: {  	s2 =	sadd.s32 s2, s17  }
0x8e: {  	[smem:$0x3FC4] =	sst s2  }
0x8f: {  	_ = 	snop  }
0x90: {  	s2 =	sld [smem:$0x3FC8]  }
0x91: {  	s18 =	sld [smem:$0x3FD0];
	(tm) =	ssettm $0x1  }
0x92: {  	s4 =	sld [smem:$0x3FFB];
	_ =	sdelay $0x3  }
0x93: {  	_ =	strace s4  }
0x94: {  	s4 =	sld [smem:$0x3FFC];
	_ =	sdelay $0x3  }
0x95: {  	_ =	strace s4  }
0x96: {  	s4 =	sld [smem:$0x3FFD];
	_ =	sdelay $0x3  }
0x97: {  	_ =	strace s4  }
0x98: {  	_ =	strace $0x8FFFFFFF  }
0x99: {  	s19 =	sld [smem:$0x3FDB];
	_ =	sdelay $0x1  }
0x9a: {  	s5 =	simm.s32 $_scs_section_size  }
0x9b: {  	s6 =	simm.s32 $_size__tile_overlayer_lowered;
	s7 =	simm.s32 $_tile_overlayer_lowered  }
0x9c: {  	s22 =	simm.s32 $0x1BFF;
	s21 =	sshll.u32 s7, $0x1;
	s4 =	sadd.s32 s5, s19  }
0x9d: {  	s8 =	simm.s32 $0x0;
	s20 =	sshll.u32 s6, $0x1;
	s6 =	sadd.s32 s21, s4  }
0x9e: {  	[timem:s8], [sflag:s22] =	dma.local [hbm:s6], s20  }
0x9f: {  	_ =	swait.ge [sflag:s22], s20  }
0xa0: {  	s5 =	ssub.s32 $0x0, s20;
	[sflag:s22] =	ssyncset.done $0x0  }
0xa1: {  	[sflag:s22] =	ssyncadd.s32 s5;
	_ =	sdelay $0x1  }
0xa2: {  	s23 =	simm.s32 $0x1B8B  }
0xa3: {  	_ =	swait.ge [sflag:s23], $0x1  }
0xa4: {  	[sflag:s23] =	ssyncset.done $0x0  }
0xa5: {  	s25 =	simm.s32 $0x1B8E;
	s24 =	sld [smem:$0x3FFE];
	[sflag:s23] =	ssyncadd.s32 $0xFFFFFFFF  }
0xa6: {  	s26 =	simm.s32 $execute0_lowered;
	[smem:$0x3FD2] =	sst s25  }
0xa7: {  	s6 =	sshll.u32 s26, $0x1;
	_ =	strace $0x80000046;
	[dreg:$0x1] =	wrdreg $0xFFFFFFFF  }
0xa8: {  	s28 =	simm.s32 $_size_execute0_lowered;
	s4 =	sadd.s32 s4, s6;
	[dreg:$0x0] =	wrdreg $0x0  }
0xa9: {  	s6 =	sshll.u32 s28, $0x1;
	[dreg:$0x2] =	wrdreg s4  }
0xaa: {  	[dreg:$0x3] =	wrdreg s6  }
0xab: {  	[dreg:$0x4] =	wrdreg $0xC0  }
0xac: {  	_ =	task [dreg:s8], $0x5FFFF  }
0xad: {  	[dreg:$0x1] =	wrdreg $0xFFFFFFFF  }
0xae: {  	[dreg:$0x0] =	wrdreg $0x60  }
0xaf: {  	[dreg:$0x2] =	wrdreg s18  }
0xb0: {  	[dreg:$0x3] =	wrdreg s2  }
0xb1: {  	[dreg:$0x4] =	wrdreg s24  }
0xb2: {  	[dreg:$0x5] =	wrdreg $0x9  }
0xb3: {  	_ =	task.clear_ibuf [dreg:s8], $0x6FFFF;
	_ =	strace $0x90000046  }
0xb4: {  	s29 =	simm.s32 $0x9;
	_ =	strace $0x80000048  }
0xb5: {  	_ =	swait.ge [sflag:s29], $0x1  }
0xb6: {  	[sflag:s29] =	ssyncadd.s32 $0xFFFFFFFF  }
0xb7: {  	_ =	strace $0x90000048  }
0xb8: {  	_ =	sfence  }
0xb9: {  	s30 =	sld [smem:$0x0];
	_ =	sdelay $0x2  }
0xba: {  	s31 =	sshll.u32 s1, $0xD;
	s1 =	sshrl.u32 s1, $0x2  }
0xbb: {  	s3 =	sand.u32 $0x4000, s31;
	s1 =	sadd.s32 s1, s30  }
0xbc: {  	s0 =	sor.u32 s3, s0;
	s1 =	sshll.u32 s1, $0x11  }
0xbd: {  	s0 =	sor.u32 s1, s0  }
0xbe: {  	s0 =	sadd.s32 $0x8F2B, s0  }
0xbf: {  	[sflag:s0] =	ssyncadd.remote.s32 $0x1  }
0xc0: {  	_ =	sfence.sel $0xFFFF  }
0xc1: {  	[dreg:$0x0] =	wrdreg $0xFFFFFFFF;
	(pc) =	sbr.abs _section_cstart, $3  }
0xc2: {  	[dreg:$0x1] =	wrdreg $0xFFFFFFFF  }
0xc3: {  	_ =	task.clear_ibuf [dreg:s8], $0x2FFFF;
	_ =	strace $0x9FFFFFFF  }
0xc4: {  	(tm) =	ssettm $0x7FFFFFFF  }
0xc5: {  	_ =	shalt  }
tec
execute0_lowered:
.L_overlay_start_1:
0x0: {  	(tag) =	ssettag $0x1  }
0x1: {  	s4 =	rddreg [dreg:$0x0]  }
0x2: {  	s2 =	rddreg [dreg:$0x1]  }
0x3: {  	s1 =	srdreg.scid;
	s0 =	stileid.u32  }
0x4: {  	s5 =	rddreg [dreg:$0x2];
	s3 =	simm.s32 $0x0;
	s10 =	simm.s32 $0x7800  }
0x5: {  	s11 =	simm.s32 $0x50;
	s12 =	simm.s32 $0x8C00;
	s13 =	simm.s32 $0x78  }
0x6: {  	s14 =	simm.s32 $0xA000;
	s15 =	simm.s32 $0xA0;
	s16 =	simm.s32 $0xB400  }
0x7: {  	s17 =	simm.s32 $0x1;
	s18 =	simm.s32 $0x2;
	s19 =	simm.s32 $0x3  }
0x8: {  	s20 =	simm.s32 $0x4;
	s21 =	simm.s32 $0x5;
	s22 =	simm.s32 $0x0  }
0x9: {  	s6 =	sand.u32 $0x1, s1;
	s7 =	sshll.u32 s0, $0x1;
	s1 =	rddreg [dreg:$0x3]  }
0xa: {  	[smem:$0x7FF] =	sst s3;
	s7 =	sor.u32 s6, s7;
	s6 =	ssub.s32 $0x2, s6  }
0xb: {  	s8 =	smul.u32 $0xC80, s7;
	s7 =	sshll.u32 s7, $0xB;
	s9 =	sshrl.u32 s6, $0x1  }
0xc: {  	_ =	strace $0x80000047;
	s5 =	sadd.s32 s7, s5;
	s6 =	ssub.s32 s6, s9  }
0xd: {  	s7 =	simm.s32 $0x6;
	s9 =	simm.s32 $0x6400;
	s4 =	sadd.s32 s4, s8  }
0xe: {  	s5 =	sadd.s32 $0xA00, s5;
	s6 =	smax.u32 s6, $0x1;
	s8 =	simm.s32 $0x28  }
.LBB2_1:
0xf: {  	[tilespmem:s3], [sflag:$0x6] =	stream.linear.gather [hbm4b:s4+s3], $0x6400, $0x38;
	[tilespmem:$0xD800] =	vst v63  }
0x10: {  	_ =	swait.ge [sflag:s7], $0x6400  }
0x11: {  	[sflag:s7] =	ssyncset.done $0x0  }
0x12: {  	[sflag:s7] =	ssyncadd.s32 $0xFFFF9C00  }
0x13: {  	[tilespmem:s9], [sflag:$0x1] =	stream.indirect.gather [hbm4b:s2+s8], $0x80, s3, s8, $0xb8;
	[tilespmem:$0xD800] =	vst v63  }
0x14: {  	_ = 	snop  }
0x15: {  	[tilespmem:s10], [sflag:$0x2] =	stream.indirect.gather [hbm4b:s2+s8], $0x80, s8, s8, $0xb8;
	[tilespmem:$0xD800] =	vst v63  }
0x16: {  	_ = 	snop  }
0x17: {  	[tilespmem:s12], [sflag:$0x3] =	stream.indirect.gather [hbm4b:s2+s8], $0x80, s11, s8, $0xb8;
	[tilespmem:$0xD800] =	vst v63  }
0x18: {  	_ = 	snop  }
0x19: {  	[tilespmem:s14], [sflag:$0x4] =	stream.indirect.gather [hbm4b:s2+s8], $0x80, s13, s8, $0xb8;
	[tilespmem:$0xD800] =	vst v63  }
0x1a: {  	s23 =	simm.s32 $0x0  }
0x1b: {  	[tilespmem:s16], [sflag:$0x5] =	stream.indirect.gather [hbm4b:s2+s8], $0x80, s15, s8, $0xb8;
	[tilespmem:$0xD800] =	vst v63  }
.LBB2_2:
0x1c: {  	_ =	swait.ge [sflag:s17], $0x1400  }
0x1d: {  	[sflag:s17] =	ssyncset.done $0x0  }
0x1e: {  	s26 =	simm.s32 $0x0;
	[sflag:s17] =	ssyncadd.s32 $0xFFFFEC00  }
0x1f: {  	v0 =	vld [tilespmem:s26+$0x6470]  }
0x20: {  	v2 =	vld [tilespmem:s26+$0x6400]  }
0x21: {  	v4 =	vld [tilespmem:s26+$0x6410]  }
0x22: {  	v5 =	vld [tilespmem:s26+$0x6420]  }
0x23: {  	v8 =	vld [tilespmem:s26+$0x6430]  }
0x24: {  	v3 =	vimm.f32 $0.0e+00;
	v9 =	vimm.f32 $0.0e+00;
	v6 =	vld [tilespmem:s26+$0x6440]  }
0x25: {  	v10 =	vimm.f32 $0.0e+00;
	v7 =	vimm.f32 $0.0e+00;
	v11 =	vld [tilespmem:s26+$0x6450];
	v1 =	vadd.f32 v0, v3  }
0x26: {  	s25 =	simm.s32 $0x80;
	s24 =	simm.s32 $0x400;
	v12 =	vld [tilespmem:s26+$0x6460];
	v0 =	vadd.f32 v2, v3;
	v2 =	vadd.f32 v4, v3;
	v4 =	vimm.f32 $0.0e+00  }
.LBB2_3:
0x27: {  	p0 =	sne.s32 s24, $0x4E00;
	v13 =	vld [tilespmem:s25+$0x6470];
	v3 =	vadd.f32 v5, v3  }
0x28: {  	v14 =	vld [tilespmem:s25+$0x6400];
	v4 =	vadd.f32 v8, v4  }
0x29: {  	v15 =	vld [tilespmem:s25+$0x6410];
	v9 =	vadd.f32 v6, v9  }
.Ltmp0:
0x2a: {  	v5 =	vld [tilespmem:s25+$0x6420];
	v10 =	vadd.f32 v11, v10;
	(pc) =	sbr.rel @p0 .LBB2_3-.Ltmp0, $4  }
0x2b: {  	v8 =	vld [tilespmem:s25+$0x6430];
	v7 =	vadd.f32 v12, v7  }
0x2c: {  	v6 =	vld [tilespmem:s25+$0x6440];
	v1 =	vadd.f32 v13, v1  }
0x2d: {  	v0 =	vadd.f32 v14, v0;
	v11 =	vld [tilespmem:s25+$0x6450]  }
0x2e: {  	v2 =	vadd.f32 v15, v2;
	v12 =	vld [tilespmem:s25+$0x6460];
	s25 =	sshra.s32 s24, $0x2;
	s24 =	sadd.s32 $0x200, s24  }
0x2f: {  	v13 =	vld [tilespmem:s25+$0x6470]  }
0x30: {  	v14 =	vld [tilespmem:s25+$0x6400]  }
0x31: {  	v15 =	vld [tilespmem:s25+$0x6410]  }
0x32: {  	v16 =	vld [tilespmem:s25+$0x6420]  }
0x33: {  	v17 =	vld [tilespmem:s25+$0x6430];
	s24 =	sadd.s32 $0x1, s23;
	p0 =	seq.s32 s23, $0x7F  }
0x34: {  	v18 =	vld [tilespmem:s25+$0x6440];
	s26 =	smul.u32 @!p0 $0x320, s24  }
0x35: {  	v19 =	vld [tilespmem:s25+$0x6450]  }
0x36: {  	v20 =	vld [tilespmem:s25+$0x6460];
	s28 =	simm.s32 @!p0 $0x6400;
	s25 =	sshra.s32 @!p0 s26, $0x2;
	s26 =	simm.s32 @!p0 $0x28  }
0x37: {  	[tilespmem:s28], [sflag:$0x1] =	stream.indirect.gather @!p0 [hbm4b:s2+s26], $0x80, s25, s26, $0xb8;
	[tilespmem:$0xD800] =	vst v63  }
0x38: {  	_ =	swait.ge [sflag:s18], $0x1400  }
0x39: {  	[sflag:s18] =	ssyncset.done $0x0  }
0x3a: {  	s29 =	simm.s32 $0x0;
	[sflag:s18] =	ssyncadd.s32 $0xFFFFEC00  }
0x3b: {  	v3 =	vadd.f32 v5, v3;
	v4 =	vadd.f32 v8, v4;
	v5 =	vld [tilespmem:s29+$0x7870]  }
0x3c: {  	v6 =	vadd.f32 v6, v9;
	v10 =	vadd.f32 v11, v10;
	v21 =	vld [tilespmem:s29+$0x7800]  }
0x3d: {  	v7 =	vadd.f32 v12, v7;
	v11 =	vadd.f32 v13, v1;
	v12 =	vld [tilespmem:s29+$0x7810]  }
0x3e: {  	v13 =	vadd.f32 v14, v0;
	v14 =	vadd.f32 v15, v2;
	v8 =	vld [tilespmem:s29+$0x7820]  }
0x3f: {  	v0 =	vadd.f32 v16, v3;
	v1 =	vadd.f32 v17, v4;
	v9 =	vld [tilespmem:s29+$0x7830]  }
0x40: {  	v2 =	vadd.f32 v18, v6;
	v3 =	vadd.f32 v19, v10;
	v10 =	vld [tilespmem:s29+$0x7840]  }
0x41: {  	v4 =	vadd.f32 v20, v7;
	v5 =	vadd.f32 v5, v11;
	v11 =	vld [tilespmem:s29+$0x7850]  }
0x42: {  	s26 =	simm.s32 $0x80;
	s28 =	simm.s32 $0x400;
	v6 =	vadd.f32 v21, v13;
	v7 =	vadd.f32 v12, v14;
	v12 =	vld [tilespmem:s29+$0x7860]  }
.LBB2_5:
0x43: {  	p1 =	sne.s32 s28, $0x4E00;
	v13 =	vld [tilespmem:s26+$0x7870];
	v0 =	vadd.f32 v8, v0  }
0x44: {  	v14 =	vld [tilespmem:s26+$0x7800];
	v1 =	vadd.f32 v9, v1  }
0x45: {  	v15 =	vld [tilespmem:s26+$0x7810];
	v2 =	vadd.f32 v10, v2  }
.Ltmp1:
0x46: {  	v8 =	vld [tilespmem:s26+$0x7820];
	v3 =	vadd.f32 v11, v3;
	(pc) =	sbr.rel @p1 .LBB2_5-.Ltmp1, $4  }
0x47: {  	v9 =	vld [tilespmem:s26+$0x7830];
	v4 =	vadd.f32 v12, v4  }
0x48: {  	v10 =	vld [tilespmem:s26+$0x7840];
	v5 =	vadd.f32 v13, v5  }
0x49: {  	v6 =	vadd.f32 v14, v6;
	v11 =	vld [tilespmem:s26+$0x7850]  }
0x4a: {  	v7 =	vadd.f32 v15, v7;
	v12 =	vld [tilespmem:s26+$0x7860];
	s26 =	sshra.s32 s28, $0x2;
	s28 =	sadd.s32 $0x200, s28  }
0x4b: {  	v13 =	vld [tilespmem:s26+$0x7870]  }
0x4c: {  	v14 =	vld [tilespmem:s26+$0x7800]  }
0x4d: {  	v15 =	vld [tilespmem:s26+$0x7810]  }
0x4e: {  	v16 =	vld [tilespmem:s26+$0x7820]  }
0x4f: {  	v17 =	vld [tilespmem:s26+$0x7830]  }
0x50: {  	v18 =	vld [tilespmem:s26+$0x7840]  }
0x51: {  	v19 =	vld [tilespmem:s26+$0x7850]  }
0x52: {  	v20 =	vld [tilespmem:s26+$0x7860];
	s26 =	sadd.s32 @!p0 $0x28, s25;
	s28 =	simm.s32 @!p0 $0x28;
	s29 =	simm.s32 @!p0 $0x7800  }
0x53: {  	[tilespmem:s29], [sflag:$0x2] =	stream.indirect.gather @!p0 [hbm4b:s2+s28], $0x80, s26, s28, $0xb8;
	[tilespmem:$0xD800] =	vst v63  }
0x54: {  	_ =	swait.ge [sflag:s19], $0x1400  }
0x55: {  	[sflag:s19] =	ssyncset.done $0x0  }
0x56: {  	s31 =	simm.s32 $0x0;
	[sflag:s19] =	ssyncadd.s32 $0xFFFFEC00  }
0x57: {  	v0 =	vadd.f32 v8, v0;
	v1 =	vadd.f32 v9, v1;
	v21 =	vld [tilespmem:s31+$0x8C70]  }
0x58: {  	v2 =	vadd.f32 v10, v2;
	v3 =	vadd.f32 v11, v3;
	v22 =	vld [tilespmem:s31+$0x8C00]  }
0x59: {  	v4 =	vadd.f32 v12, v4;
	v5 =	vadd.f32 v13, v5;
	v12 =	vld [tilespmem:s31+$0x8C10]  }
0x5a: {  	v6 =	vadd.f32 v14, v6;
	v7 =	vadd.f32 v15, v7;
	v8 =	vld [tilespmem:s31+$0x8C20]  }
0x5b: {  	v0 =	vadd.f32 v16, v0;
	v1 =	vadd.f32 v17, v1;
	v9 =	vld [tilespmem:s31+$0x8C30]  }
0x5c: {  	v2 =	vadd.f32 v18, v2;
	v3 =	vadd.f32 v19, v3;
	v10 =	vld [tilespmem:s31+$0x8C40]  }
0x5d: {  	v11 =	vld [tilespmem:s31+$0x8C50];
	v4 =	vadd.f32 v20, v4;
	v5 =	vadd.f32 v21, v5  }
0x5e: {  	s26 =	simm.s32 $0x80;
	s28 =	simm.s32 $0x400;
	v6 =	vadd.f32 v22, v6;
	v7 =	vadd.f32 v12, v7;
	v12 =	vld [tilespmem:s31+$0x8C60]  }
.LBB2_7:
0x5f: {  	p1 =	sne.s32 s28, $0x4E00;
	v13 =	vld [tilespmem:s26+$0x8C70];
	v0 =	vadd.f32 v8, v0  }
0x60: {  	v14 =	vld [tilespmem:s26+$0x8C00];
	v1 =	vadd.f32 v9, v1  }
0x61: {  	v15 =	vld [tilespmem:s26+$0x8C10];
	v2 =	vadd.f32 v10, v2  }
.Ltmp2:
0x62: {  	v8 =	vld [tilespmem:s26+$0x8C20];
	v3 =	vadd.f32 v11, v3;
	(pc) =	sbr.rel @p1 .LBB2_7-.Ltmp2, $4  }
0x63: {  	v9 =	vld [tilespmem:s26+$0x8C30];
	v4 =	vadd.f32 v12, v4  }
0x64: {  	v10 =	vld [tilespmem:s26+$0x8C40];
	v5 =	vadd.f32 v13, v5  }
0x65: {  	v6 =	vadd.f32 v14, v6;
	v11 =	vld [tilespmem:s26+$0x8C50]  }
0x66: {  	v7 =	vadd.f32 v15, v7;
	v12 =	vld [tilespmem:s26+$0x8C60];
	s26 =	sshra.s32 s28, $0x2;
	s28 =	sadd.s32 $0x200, s28  }
0x67: {  	v13 =	vld [tilespmem:s26+$0x8C70]  }
0x68: {  	v14 =	vld [tilespmem:s26+$0x8C00]  }
0x69: {  	v15 =	vld [tilespmem:s26+$0x8C10]  }
0x6a: {  	v16 =	vld [tilespmem:s26+$0x8C20]  }
0x6b: {  	v17 =	vld [tilespmem:s26+$0x8C30]  }
0x6c: {  	v18 =	vld [tilespmem:s26+$0x8C40]  }
0x6d: {  	v19 =	vld [tilespmem:s26+$0x8C50]  }
0x6e: {  	v20 =	vld [tilespmem:s26+$0x8C60];
	s26 =	sadd.s32 @!p0 $0x50, s25;
	s28 =	simm.s32 @!p0 $0x28;
	s29 =	simm.s32 @!p0 $0x8C00  }
0x6f: {  	[tilespmem:s29], [sflag:$0x3] =	stream.indirect.gather @!p0 [hbm4b:s2+s28], $0x80, s26, s28, $0xb8;
	[tilespmem:$0xD800] =	vst v63  }
0x70: {  	_ =	swait.ge [sflag:s20], $0x1400  }
0x71: {  	[sflag:s20] =	ssyncset.done $0x0  }
0x72: {  	s31 =	simm.s32 $0x0;
	[sflag:s20] =	ssyncadd.s32 $0xFFFFEC00  }
0x73: {  	v0 =	vadd.f32 v8, v0;
	v1 =	vadd.f32 v9, v1;
	v21 =	vld [tilespmem:s31+$0xA070]  }
0x74: {  	v2 =	vadd.f32 v10, v2;
	v3 =	vadd.f32 v11, v3;
	v22 =	vld [tilespmem:s31+$0xA000]  }
0x75: {  	v4 =	vadd.f32 v12, v4;
	v5 =	vadd.f32 v13, v5;
	v12 =	vld [tilespmem:s31+$0xA010]  }
0x76: {  	v6 =	vadd.f32 v14, v6;
	v7 =	vadd.f32 v15, v7;
	v8 =	vld [tilespmem:s31+$0xA020]  }
0x77: {  	v0 =	vadd.f32 v16, v0;
	v1 =	vadd.f32 v17, v1;
	v9 =	vld [tilespmem:s31+$0xA030]  }
0x78: {  	v2 =	vadd.f32 v18, v2;
	v3 =	vadd.f32 v19, v3;
	v10 =	vld [tilespmem:s31+$0xA040]  }
0x79: {  	v11 =	vld [tilespmem:s31+$0xA050];
	v4 =	vadd.f32 v20, v4;
	v5 =	vadd.f32 v21, v5  }
0x7a: {  	s26 =	simm.s32 $0x80;
	s28 =	simm.s32 $0x400;
	v6 =	vadd.f32 v22, v6;
	v7 =	vadd.f32 v12, v7;
	v12 =	vld [tilespmem:s31+$0xA060]  }
.LBB2_9:
0x7b: {  	p1 =	sne.s32 s28, $0x4E00;
	v13 =	vld [tilespmem:s26+$0xA070];
	v0 =	vadd.f32 v8, v0  }
0x7c: {  	v14 =	vld [tilespmem:s26+$0xA000];
	v1 =	vadd.f32 v9, v1  }
0x7d: {  	v15 =	vld [tilespmem:s26+$0xA010];
	v2 =	vadd.f32 v10, v2  }
.Ltmp3:
0x7e: {  	v8 =	vld [tilespmem:s26+$0xA020];
	v3 =	vadd.f32 v11, v3;
	(pc) =	sbr.rel @p1 .LBB2_9-.Ltmp3, $4  }
0x7f: {  	v9 =	vld [tilespmem:s26+$0xA030];
	v4 =	vadd.f32 v12, v4  }
0x80: {  	v10 =	vld [tilespmem:s26+$0xA040];
	v5 =	vadd.f32 v13, v5  }
0x81: {  	v6 =	vadd.f32 v14, v6;
	v11 =	vld [tilespmem:s26+$0xA050]  }
0x82: {  	v7 =	vadd.f32 v15, v7;
	v12 =	vld [tilespmem:s26+$0xA060];
	s26 =	sshra.s32 s28, $0x2;
	s28 =	sadd.s32 $0x200, s28  }
0x83: {  	v13 =	vld [tilespmem:s26+$0xA070]  }
0x84: {  	v14 =	vld [tilespmem:s26+$0xA000]  }
0x85: {  	v15 =	vld [tilespmem:s26+$0xA010]  }
0x86: {  	v16 =	vld [tilespmem:s26+$0xA020]  }
0x87: {  	v17 =	vld [tilespmem:s26+$0xA030]  }
0x88: {  	v18 =	vld [tilespmem:s26+$0xA040]  }
0x89: {  	v19 =	vld [tilespmem:s26+$0xA050]  }
0x8a: {  	v20 =	vld [tilespmem:s26+$0xA060];
	s26 =	sadd.s32 @!p0 $0x78, s25;
	s28 =	simm.s32 @!p0 $0x28;
	s29 =	simm.s32 @!p0 $0xA000  }
0x8b: {  	[tilespmem:s29], [sflag:$0x4] =	stream.indirect.gather @!p0 [hbm4b:s2+s28], $0x80, s26, s28, $0xb8;
	[tilespmem:$0xD800] =	vst v63  }
0x8c: {  	_ =	swait.ge [sflag:s21], $0x1400  }
0x8d: {  	[sflag:s21] =	ssyncset.done $0x0  }
0x8e: {  	s31 =	simm.s32 $0x0;
	[sflag:s21] =	ssyncadd.s32 $0xFFFFEC00  }
0x8f: {  	v0 =	vadd.f32 v8, v0;
	v1 =	vadd.f32 v9, v1;
	v8 =	vld [tilespmem:s31+$0xB470]  }
0x90: {  	v2 =	vadd.f32 v10, v2;
	v9 =	vadd.f32 v11, v3;
	v10 =	vld [tilespmem:s31+$0xB400]  }
0x91: {  	v12 =	vadd.f32 v12, v4;
	v13 =	vadd.f32 v13, v5;
	v21 =	vld [tilespmem:s31+$0xB410]  }
0x92: {  	v14 =	vadd.f32 v14, v6;
	v15 =	vadd.f32 v15, v7;
	v11 =	vld [tilespmem:s31+$0xB420]  }
0x93: {  	v5 =	vadd.f32 v16, v0;
	v4 =	vadd.f32 v17, v1;
	v6 =	vld [tilespmem:s31+$0xB430]  }
0x94: {  	v3 =	vadd.f32 v18, v2;
	v2 =	vadd.f32 v19, v9;
	v7 =	vld [tilespmem:s31+$0xB440]  }
0x95: {  	v1 =	vadd.f32 v20, v12;
	v0 =	vadd.f32 v8, v13;
	v8 =	vld [tilespmem:s31+$0xB450]  }
0x96: {  	s26 =	simm.s32 $0x80;
	s28 =	simm.s32 $0x400;
	v9 =	vld [tilespmem:s31+$0xB460];
	v12 =	vadd.f32 v10, v14;
	v10 =	vadd.f32 v21, v15  }
.LBB2_11:
0x97: {  	p1 =	sne.s32 s28, $0x4E00;
	v13 =	vld [tilespmem:s26+$0xB470];
	v5 =	vadd.f32 v11, v5  }
0x98: {  	v14 =	vld [tilespmem:s26+$0xB400];
	v4 =	vadd.f32 v6, v4  }
0x99: {  	v15 =	vld [tilespmem:s26+$0xB410];
	v3 =	vadd.f32 v7, v3  }
.Ltmp4:
0x9a: {  	v11 =	vld [tilespmem:s26+$0xB420];
	v2 =	vadd.f32 v8, v2;
	(pc) =	sbr.rel @p1 .LBB2_11-.Ltmp4, $4  }
0x9b: {  	v6 =	vld [tilespmem:s26+$0xB430];
	v1 =	vadd.f32 v9, v1  }
0x9c: {  	v7 =	vld [tilespmem:s26+$0xB440];
	v0 =	vadd.f32 v13, v0  }
0x9d: {  	v12 =	vadd.f32 v14, v12;
	v8 =	vld [tilespmem:s26+$0xB450]  }
0x9e: {  	v10 =	vadd.f32 v15, v10;
	v9 =	vld [tilespmem:s26+$0xB460];
	s26 =	sshra.s32 s28, $0x2;
	s28 =	sadd.s32 $0x200, s28  }
0x9f: {  	v13 =	vld [tilespmem:s26+$0xB470]  }
0xa0: {  	v14 =	vld [tilespmem:s26+$0xB400]  }
0xa1: {  	v15 =	vld [tilespmem:s26+$0xB410]  }
0xa2: {  	v16 =	vld [tilespmem:s26+$0xB420]  }
0xa3: {  	v17 =	vld [tilespmem:s26+$0xB430]  }
0xa4: {  	v18 =	vld [tilespmem:s26+$0xB440]  }
0xa5: {  	v19 =	vld [tilespmem:s26+$0xB450];
	v5 =	vadd.f32 v11, v5;
	s25 =	sadd.s32 @!p0 $0xA0, s25;
	v60 =	vadd.f32 v14, v12  }
0xa6: {  	v61 =	vld [tilespmem:s26+$0xB460];
	s26 =	simm.s32 @!p0 $0x28;
	s28 =	simm.s32 @!p0 $0xB400;
	s30 =	sand.u32 $0x1F, s23;
	v4 =	vadd.f32 v6, v4;
	v62 =	vadd.f32 v15, v10  }
0xa7: {  	[tilespmem:s28], [sflag:$0x5] =	stream.indirect.gather @!p0 [hbm4b:s2+s26], $0x80, s25, s26, $0xb8;
	v3 =	vadd.f32 v7, v3;
	v5 =	vadd.f32 v16, v5;
	v63 =	vmul.f32 $4.999999890e-03, v60;
	[tilespmem:$0xD800] =	vst v63  }
0xa8: {  	s31 =	sshll.u32 s30, $0x7;
	v2 =	vadd.f32 v8, v2;
	v4 =	vadd.f32 v17, v4;
	v6 =	vmul.f32 $4.999999890e-03, v62  }
0xa9: {  	v3 =	vadd.f32 v18, v3;
	v5 =	vmul.f32 $4.999999890e-03, v5;
	[tilespmem:s31+$0xC800] =	vst v63  }
0xaa: {  	v1 =	vadd.f32 v9, v1;
	v2 =	vadd.f32 v19, v2;
	v4 =	vmul.f32 $4.999999890e-03, v4;
	[tilespmem:s31+$0xC810] =	vst v6  }
0xab: {  	v0 =	vadd.f32 v13, v0;
	v3 =	vmul.f32 $4.999999890e-03, v3;
	[tilespmem:s31+$0xC820] =	vst v5  }
0xac: {  	v1 =	vadd.f32 v61, v1;
	v2 =	vmul.f32 $4.999999890e-03, v2;
	[tilespmem:s31+$0xC830] =	vst v4  }
0xad: {  	p0 =	sne.s32 s30, $0x1F;
	v0 =	vmul.f32 $4.999999890e-03, v0;
	[tilespmem:s31+$0xC840] =	vst v3  }
0xae: {  	s23 =	sshll.u32 @!p0 s23, $0x4;
	v1 =	vmul.f32 $4.999999890e-03, v1;
	[tilespmem:s31+$0xC850] =	vst v2  }
0xaf: {  	p1 =	sne.s32 s24, $0x80;
	s23 =	sand.u32 @!p0 $0x600, s23;
	[tilespmem:s31+$0xC870] =	vst v0  }
0xb0: {  	s25 =	simm.s32 @!p0 $0x0;
	s26 =	simm.s32 @!p0 $0xC800;
	s23 =	sadd.s32 @!p0 s23, s5;
	[tilespmem:s31+$0xC860] =	vst v1  }
0xb1: {  	[hbm4b:s23+s25] =	stream.linear.scatter @!p0 [tilespmem:s26], [sflag:$0x6], $0x1000, $0x38;
	[tilespmem:$0xD800] =	vst v63  }
.Ltmp5:
0xb2: {  	_ = 	snop;
	(pc) =	sbr.rel @p1 .LBB2_2-.Ltmp5, $4  }
0xb3: {  	s23 =	simm.s32 @!p0 $0x6  }
0xb4: {  	_ =	swait.ge @!p0 [sflag:s23], $0x1000  }
0xb5: {  	[sflag:s23] =	ssyncset.done @!p0 $0x0  }
0xb6: {  	[sflag:s23] =	ssyncadd.s32 @!p0 $0xFFFFF000;
	s23 =	smov.u32 s24  }
0xb7: {  	s22 =	sadd.s32 $0x1, s22  }
0xb8: {  	p0 =	sne.s32 s22, s6  }
.Ltmp6:
0xb9: {  	_ = 	snop;
	(pc) =	sbr.rel @p0 .LBB2_1-.Ltmp6, $1  }
0xba: {  	_ =	sdelay $0x3  }
0xbb: {  	_ =	sfence.sel $0x180000  }
0xbc: {  	[bflag:$0x0] =	sbarrier.arrive $0xFFFF  }
0xbd: {  	p0 =	sne.s32 s0, $0x0;
	_ =	strace $0x90000047  }
0xbe: {  	s0 =	sadd.s32 @!p0 $0x100000, s1;
	[bflag:$0x2] =	sbarrier.arrive $0xFFFF  }
0xbf: {  	[sflag:s0] =	ssyncadd.tile.s32 @!p0 $0x1;
	_ =	shalt  }
.Lfunc_end2:
_tile_overlayer_lowered:
.L_overlay_start_2:
0xc0: {  	(tag) =	ssettag $0x2  }
0xc1: {  	s0 =	rddreg [dreg:$0x0];
	s2 =	stileid.u32  }
0xc2: {  	s1 =	rddreg [dreg:$0x1];
	p0 =	sne.s32 s2, $0x0  }
0xc3: {  	s3 =	rddreg [dreg:$0x2];
	[bflag:$0x3] =	sbarrier.arrive $0xFFFF;
	s2 =	simm.s32 @!p0 $0x1C06  }
0xc4: {  	[timem:s3], [sflag:s2] =	dma.local @!p0 [hbm:s0], s1  }
0xc5: {  	s0 =	simm.s32 @!p0 $0x6  }
0xc6: {  	_ =	swait.ge @!p0 [sflag:s0], s1  }
0xc7: {  	s1 =	ssub.s32 @!p0 $0x0, s1;
	[sflag:s0] =	ssyncset.done @!p0 $0x0  }
0xc8: {  	[sflag:s0] =	ssyncadd.s32 @!p0 s1  }
0xc9: {  	[bflag:$0x3] =	sbarrier.arrive $0xFFFF  }
0xca: {  	_ =	shalt  }

</sc_bundles>
